<compile_context>
chip_gen: v7x
topology: tpu7x:2x2x1
jax: 0.10.2.dev20260603
libtpu: 0.0.44.dev20260713+nightly
codegen_flags: <defaults>
</compile_context>

<pallas_src>
import functools

import jax
import jax.numpy as jnp
from jax import lax
from jax.experimental import pallas as pl
from jax.experimental.pallas import tpu as pltpu
from jax.experimental.pallas import tpu_sc as plsc

DIM = 64
CHUNK = 128
PADW = CHUNK + 1
NSLOT = 4
HIST = 50
LANES = 16
SUB = 8


@functools.lru_cache(maxsize=None)
def _make_lookup(n_idx: int, n_ent: int, dim: int):
    info = plsc.get_sparse_core_info()
    nw = info.num_cores * info.num_subcores
    batch = n_idx // HIST
    bpw = batch // nw
    n_tc = batch // CHUNK
    tr = dim // SUB
    assert bpw == NSLOT * CHUNK

    mesh = plsc.VectorSubcoreMesh(core_axis_name="c", subcore_axis_name="s")

    @functools.partial(
        pl.kernel,
        mesh=mesh,
        out_type=jax.ShapeDtypeStruct((HIST, tr, n_tc, SUB, CHUNK), jnp.float32),
        scratch_types=[
            pltpu.VMEM((HIST, bpw), jnp.int32),
            *[pltpu.VMEM((CHUNK, dim), jnp.float32) for _ in range(NSLOT)],
            *[pltpu.VMEM((tr, SUB, PADW), jnp.float32) for _ in range(NSLOT)],
            pltpu.SemaphoreType.DMA((NSLOT,)),
            pltpu.SemaphoreType.DMA((NSLOT,)),
        ],
        compiler_params=pltpu.CompilerParams(
            use_tc_tiling_on_sc=False, needs_layout_passes=False
        ),
    )
    def lookup(idx_hbm, table_hbm, out_hbm, idx_v, *bufs):
        rows = bufs[:NSLOT]
        outs = bufs[NSLOT : 2 * NSLOT]
        sem_g, sem_w = bufs[2 * NSLOT], bufs[2 * NSLOT + 1]
        wid = lax.axis_index("s") * info.num_cores + lax.axis_index("c")
        b0 = wid * bpw
        tc0 = wid * NSLOT
        pltpu.sync_copy(idx_hbm.at[:, pl.ds(b0, bpw)], idx_v)

        iota = lax.iota(jnp.int32, LANES)
        tr_idx = {c0: (iota + c0) // SUB for c0 in range(0, dim, LANES)}
        s_idx = {c0: (iota + c0) % SUB for c0 in range(0, dim, LANES)}

        def transpose(src, dst):
            @plsc.parallel_loop(0, CHUNK, unroll=8)
            def _row(r):
                rv = jnp.full((LANES,), r, jnp.int32)
                for c0 in range(0, dim, LANES):
                    v = src[r, pl.ds(c0, LANES)]
                    plsc.store_scatter(dst, [tr_idx[c0], s_idx[c0], rv], v)

        def outer(h, carry):
            for s in range(NSLOT):
                @pl.when(h > 0)
                def _wait_prev_write():
                    pltpu.make_async_copy(
                        outs[s].at[:, :, pl.ds(0, CHUNK)],
                        out_hbm.at[0, pl.ds(0, tr), 0, pl.ds(0, SUB), pl.ds(0, CHUNK)],
                        sem_w.at[s],
                    ).wait()

                pltpu.async_copy(
                    table_hbm.at[idx_v.at[h, pl.ds(s * CHUNK, CHUNK)]],
                    rows[s],
                    sem_g.at[s],
                )
            for s in range(NSLOT):
                pltpu.make_async_copy(
                    table_hbm.at[pl.ds(0, CHUNK)], rows[s], sem_g.at[s]
                ).wait()
                transpose(rows[s], outs[s])
                pltpu.async_copy(
                    outs[s].at[:, :, pl.ds(0, CHUNK)],
                    out_hbm.at[h, pl.ds(0, tr), tc0 + s, pl.ds(0, SUB), pl.ds(0, CHUNK)],
                    sem_w.at[s],
                )
            return carry

        lax.fori_loop(0, HIST, outer, 0)
        for s in range(NSLOT):
            pltpu.make_async_copy(
                outs[s].at[:, :, pl.ds(0, CHUNK)],
                out_hbm.at[0, pl.ds(0, tr), 0, pl.ds(0, SUB), pl.ds(0, CHUNK)],
                sem_w.at[s],
            ).wait()

    return lookup


@jax.jit
def kernel(entities, ent_embs):
    batch, hist = entities.shape
    n_ent, dim = ent_embs.shape
    idx_t = jnp.transpose(entities).astype(jnp.int32)
    out5 = _make_lookup(batch * hist, n_ent, dim)(idx_t, ent_embs)
    out = jnp.transpose(out5, (2, 4, 0, 1, 3)).reshape(batch, hist, dim)
    return out

# --- scband reference (transcript-rebuilt; emitter-appended) ---
"""Pipeline reference for scband-static-embedding-70514773066411 (READ-ONLY COPY).

The authoritative reference and input builder live on the scoring server;
editing this copy changes nothing except your own understanding.
"""

import jax, jax.numpy as jnp
import numpy as np

N_ENT = 1000000
DIM_ENT = 64
BATCH = 16384
HIST = 50

def setup_inputs(seed: int = 0) -> dict:
    key = jax.random.key(seed)
    k_idx, k_tab = jax.random.split(key)
    entities = jax.random.randint(k_idx, (BATCH, HIST), 0, N_ENT, dtype=jnp.int64 if jax.config.jax_enable_x64 else jnp.int32)
    ent_embs = jax.random.normal(k_tab, (N_ENT, DIM_ENT), dtype=jnp.float32)
    return {"entities": entities, "ent_embs": ent_embs}

def reference(entities, ent_embs):
    # nn.Embedding forward: table lookup by index
    return jnp.take(ent_embs, entities, axis=0)

if __name__ == "__main__":
    import jax
    _d = setup_inputs()
    print(jax.jit(kernel)(*tuple(_d.values())))

</pallas_src>

<mosaic_0001>
#map = affine_map<(d0, d1) -> (0, 0)>
#map1 = affine_map<(d0, d1) -> (0, 0, 0, 0, 0)>
module attributes {stable_mosaic.version = 14 : i64} {
  func.func @lookup(%arg0: i32, %arg1: i32, %arg2: memref<50x16384xi32, #tpu.memory_space<hbm>>, %arg3: memref<1000000x64xf32, #tpu.memory_space<hbm>>, %arg4: memref<50x8x128x8x128xf32, #tpu.memory_space<hbm>>, %arg5: memref<50x512xi32, #tpu.memory_space<vmem>>, %arg6: memref<128x64xf32, #tpu.memory_space<vmem>>, %arg7: memref<128x64xf32, #tpu.memory_space<vmem>>, %arg8: memref<128x64xf32, #tpu.memory_space<vmem>>, %arg9: memref<128x64xf32, #tpu.memory_space<vmem>>, %arg10: memref<8x8x129xf32, #tpu.memory_space<vmem>>, %arg11: memref<8x8x129xf32, #tpu.memory_space<vmem>>, %arg12: memref<8x8x129xf32, #tpu.memory_space<vmem>>, %arg13: memref<8x8x129xf32, #tpu.memory_space<vmem>>, %arg14: memref<4x!tpu.dma_semaphore, #tpu.memory_space<semaphore_mem>>, %arg15: memref<4x!tpu.dma_semaphore, #tpu.memory_space<semaphore_mem>>) attributes {dimension_semantics = [#tpu.dimension_semantics<core_parallel>, #tpu.dimension_semantics<subcore_parallel>], iteration_bounds = array<i64: 2, 16>, scalar_prefetch = 0 : i64, scratch_operands = 11 : i64, tpu.core_type = #tpu.core_type<sc_vector_subcore>, window_params = [{transform_indices = #map}, {transform_indices = #map}, {transform_indices = #map1}]} {
    %mul3A = arith.constant 2 : i32
    %mul3A_0 = arith.muli %arg1, %mul3A : i32
    %add3A = arith.addi %mul3A_0, %arg0 : i32
    %mul3A_1 = arith.constant 512 : i32
    %mul3A_2 = arith.muli %add3A, %mul3A_1 : i32
    %mul3A_3 = arith.constant 4 : i32
    %mul3A_4 = arith.muli %add3A, %mul3A_3 : i32
    "tpu.region"() ({
      %run_scoped3A = tpu.sem_alloc : memref<!tpu.dma_semaphore, #tpu.memory_space<semaphore_mem>>
      %dma_start3A = arith.constant 0 : i32
      %dma_start3A_327 = tpu.memref_slice %arg2[%dma_start3A, %mul3A_2] : memref<50x16384xi32, #tpu.memory_space<hbm>> -> memref<50x512xi32, #tpu.memory_space<hbm>>
      %dma_start3A_328 = arith.constant 0 : i32
      %dma_start3A_329 = tpu.memref_slice %arg2[%dma_start3A_328, %mul3A_2] : memref<50x16384xi32, #tpu.memory_space<hbm>> -> memref<50x512xi32, #tpu.memory_space<hbm>>
      tpu.enqueue_dma source(%dma_start3A_329 : memref<50x512xi32, #tpu.memory_space<hbm>>) target(%arg5 : memref<50x512xi32, #tpu.memory_space<vmem>>) target_semaphore(%run_scoped3A : memref<!tpu.dma_semaphore, #tpu.memory_space<semaphore_mem>>)
      %dma_wait3A_330 = arith.constant 0 : i32
      %dma_wait3A_331 = tpu.memref_slice %arg2[%dma_wait3A_330, %mul3A_2] : memref<50x16384xi32, #tpu.memory_space<hbm>> -> memref<50x512xi32, #tpu.memory_space<hbm>>
      %dma_wait3A_332 = arith.constant 0 : i32
      %dma_wait3A_333 = tpu.memref_slice %arg2[%dma_wait3A_332, %mul3A_2] : memref<50x16384xi32, #tpu.memory_space<hbm>> -> memref<50x512xi32, #tpu.memory_space<hbm>>
      tpu.wait_dma2 semaphore(%run_scoped3A : memref<!tpu.dma_semaphore, #tpu.memory_space<semaphore_mem>>) src(%dma_wait3A_333 : memref<50x512xi32, #tpu.memory_space<hbm>>) dst(%arg5 : memref<50x512xi32, #tpu.memory_space<vmem>>)
      tpu.yield
    }) : () -> ()
    %iota3A = tpu.iota {dimensions = array<i32: 0>} : vector<16xi32>
    %add3A_5 = arith.constant 0 : i32
    %add3A_6 = vector.broadcast %add3A_5 : i32 to vector<16xi32>
    %add3A_7 = arith.addi %iota3A, %add3A_6 : vector<16xi32>
    %jit3A = arith.constant 8 : i32
    %div3A = vector.broadcast %jit3A : i32 to vector<16xi32>
    %div3A_8 = arith.divsi %add3A_7, %div3A : vector<16xi32>
    %sign3A = arith.constant 0 : i32
    %sign3A_9 = vector.broadcast %sign3A : i32 to vector<16xi32>
    %sign3A_10 = arith.cmpi sgt, %add3A_7, %sign3A_9 : vector<16xi32>
    %sign3A_11 = arith.extui %sign3A_10 : vector<16xi1> to vector<16xi32>
    %sign3A_12 = arith.constant 0 : i32
    %sign3A_13 = vector.broadcast %sign3A_12 : i32 to vector<16xi32>
    %sign3A_14 = arith.cmpi slt, %add3A_7, %sign3A_13 : vector<16xi32>
    %sign3A_15 = arith.extui %sign3A_14 : vector<16xi1> to vector<16xi32>
    %sign3A_16 = arith.subi %sign3A_11, %sign3A_15 : vector<16xi32>
    %sign3A_17 = arith.constant 0 : i32
    %sign3A_18 = arith.cmpi sgt, %jit3A, %sign3A_17 : i32
    %sign3A_19 = arith.extui %sign3A_18 : i1 to i32
    %sign3A_20 = arith.constant 0 : i32
    %sign3A_21 = arith.cmpi slt, %jit3A, %sign3A_20 : i32
    %sign3A_22 = arith.extui %sign3A_21 : i1 to i32
    %sign3A_23 = arith.subi %sign3A_19, %sign3A_22 : i32
    %ne3A = vector.broadcast %sign3A_23 : i32 to vector<16xi32>
    %ne3A_24 = arith.cmpi ne, %sign3A_16, %ne3A : vector<16xi32>
    %rem3A = vector.broadcast %jit3A : i32 to vector<16xi32>
    %rem3A_25 = arith.remsi %add3A_7, %rem3A : vector<16xi32>
    %ne3A_26 = arith.constant 0 : i32
    %ne3A_27 = vector.broadcast %ne3A_26 : i32 to vector<16xi32>
    %ne3A_28 = arith.cmpi ne, %rem3A_25, %ne3A_27 : vector<16xi32>
    %and3A = arith.andi %ne3A_24, %ne3A_28 : vector<16xi1>
    %sub3A = arith.constant 1 : i32
    %sub3A_29 = vector.broadcast %sub3A : i32 to vector<16xi32>
    %sub3A_30 = arith.subi %div3A_8, %sub3A_29 : vector<16xi32>
    %select_n3A = arith.select %and3A, %sub3A_30, %div3A_8 : vector<16xi1>, vector<16xi32>
    %add3A_31 = arith.constant 16 : i32
    %add3A_32 = vector.broadcast %add3A_31 : i32 to vector<16xi32>
    %add3A_33 = arith.addi %iota3A, %add3A_32 : vector<16xi32>
    %jit3A_34 = arith.constant 8 : i32
    %div3A_35 = vector.broadcast %jit3A_34 : i32 to vector<16xi32>
    %div3A_36 = arith.divsi %add3A_33, %div3A_35 : vector<16xi32>
    %sign3A_37 = arith.constant 0 : i32
    %sign3A_38 = vector.broadcast %sign3A_37 : i32 to vector<16xi32>
    %sign3A_39 = arith.cmpi sgt, %add3A_33, %sign3A_38 : vector<16xi32>
    %sign3A_40 = arith.extui %sign3A_39 : vector<16xi1> to vector<16xi32>
    %sign3A_41 = arith.constant 0 : i32
    %sign3A_42 = vector.broadcast %sign3A_41 : i32 to vector<16xi32>
    %sign3A_43 = arith.cmpi slt, %add3A_33, %sign3A_42 : vector<16xi32>
    %sign3A_44 = arith.extui %sign3A_43 : vector<16xi1> to vector<16xi32>
    %sign3A_45 = arith.subi %sign3A_40, %sign3A_44 : vector<16xi32>
    %sign3A_46 = arith.constant 0 : i32
    %sign3A_47 = arith.cmpi sgt, %jit3A_34, %sign3A_46 : i32
    %sign3A_48 = arith.extui %sign3A_47 : i1 to i32
    %sign3A_49 = arith.constant 0 : i32
    %sign3A_50 = arith.cmpi slt, %jit3A_34, %sign3A_49 : i32
    %sign3A_51 = arith.extui %sign3A_50 : i1 to i32
    %sign3A_52 = arith.subi %sign3A_48, %sign3A_51 : i32
    %ne3A_53 = vector.broadcast %sign3A_52 : i32 to vector<16xi32>
    %ne3A_54 = arith.cmpi ne, %sign3A_45, %ne3A_53 : vector<16xi32>
    %rem3A_55 = vector.broadcast %jit3A_34 : i32 to vector<16xi32>
    %rem3A_56 = arith.remsi %add3A_33, %rem3A_55 : vector<16xi32>
    %ne3A_57 = arith.constant 0 : i32
    %ne3A_58 = vector.broadcast %ne3A_57 : i32 to vector<16xi32>
    %ne3A_59 = arith.cmpi ne, %rem3A_56, %ne3A_58 : vector<16xi32>
    %and3A_60 = arith.andi %ne3A_54, %ne3A_59 : vector<16xi1>
    %sub3A_61 = arith.constant 1 : i32
    %sub3A_62 = vector.broadcast %sub3A_61 : i32 to vector<16xi32>
    %sub3A_63 = arith.subi %div3A_36, %sub3A_62 : vector<16xi32>
    %select_n3A_64 = arith.select %and3A_60, %sub3A_63, %div3A_36 : vector<16xi1>, vector<16xi32>
    %add3A_65 = arith.constant 32 : i32
    %add3A_66 = vector.broadcast %add3A_65 : i32 to vector<16xi32>
    %add3A_67 = arith.addi %iota3A, %add3A_66 : vector<16xi32>
    %jit3A_68 = arith.constant 8 : i32
    %div3A_69 = vector.broadcast %jit3A_68 : i32 to vector<16xi32>
    %div3A_70 = arith.divsi %add3A_67, %div3A_69 : vector<16xi32>
    %sign3A_71 = arith.constant 0 : i32
    %sign3A_72 = vector.broadcast %sign3A_71 : i32 to vector<16xi32>
    %sign3A_73 = arith.cmpi sgt, %add3A_67, %sign3A_72 : vector<16xi32>
    %sign3A_74 = arith.extui %sign3A_73 : vector<16xi1> to vector<16xi32>
    %sign3A_75 = arith.constant 0 : i32
    %sign3A_76 = vector.broadcast %sign3A_75 : i32 to vector<16xi32>
    %sign3A_77 = arith.cmpi slt, %add3A_67, %sign3A_76 : vector<16xi32>
    %sign3A_78 = arith.extui %sign3A_77 : vector<16xi1> to vector<16xi32>
    %sign3A_79 = arith.subi %sign3A_74, %sign3A_78 : vector<16xi32>
    %sign3A_80 = arith.constant 0 : i32
    %sign3A_81 = arith.cmpi sgt, %jit3A_68, %sign3A_80 : i32
    %sign3A_82 = arith.extui %sign3A_81 : i1 to i32
    %sign3A_83 = arith.constant 0 : i32
    %sign3A_84 = arith.cmpi slt, %jit3A_68, %sign3A_83 : i32
    %sign3A_85 = arith.extui %sign3A_84 : i1 to i32
    %sign3A_86 = arith.subi %sign3A_82, %sign3A_85 : i32
    %ne3A_87 = vector.broadcast %sign3A_86 : i32 to vector<16xi32>
    %ne3A_88 = arith.cmpi ne, %sign3A_79, %ne3A_87 : vector<16xi32>
    %rem3A_89 = vector.broadcast %jit3A_68 : i32 to vector<16xi32>
    %rem3A_90 = arith.remsi %add3A_67, %rem3A_89 : vector<16xi32>
    %ne3A_91 = arith.constant 0 : i32
    %ne3A_92 = vector.broadcast %ne3A_91 : i32 to vector<16xi32>
    %ne3A_93 = arith.cmpi ne, %rem3A_90, %ne3A_92 : vector<16xi32>
    %and3A_94 = arith.andi %ne3A_88, %ne3A_93 : vector<16xi1>
    %sub3A_95 = arith.constant 1 : i32
    %sub3A_96 = vector.broadcast %sub3A_95 : i32 to vector<16xi32>
    %sub3A_97 = arith.subi %div3A_70, %sub3A_96 : vector<16xi32>
    %select_n3A_98 = arith.select %and3A_94, %sub3A_97, %div3A_70 : vector<16xi1>, vector<16xi32>
    %add3A_99 = arith.constant 48 : i32
    %add3A_100 = vector.broadcast %add3A_99 : i32 to vector<16xi32>
    %add3A_101 = arith.addi %iota3A, %add3A_100 : vector<16xi32>
    %jit3A_102 = arith.constant 8 : i32
    %div3A_103 = vector.broadcast %jit3A_102 : i32 to vector<16xi32>
    %div3A_104 = arith.divsi %add3A_101, %div3A_103 : vector<16xi32>
    %sign3A_105 = arith.constant 0 : i32
    %sign3A_106 = vector.broadcast %sign3A_105 : i32 to vector<16xi32>
    %sign3A_107 = arith.cmpi sgt, %add3A_101, %sign3A_106 : vector<16xi32>
    %sign3A_108 = arith.extui %sign3A_107 : vector<16xi1> to vector<16xi32>
    %sign3A_109 = arith.constant 0 : i32
    %sign3A_110 = vector.broadcast %sign3A_109 : i32 to vector<16xi32>
    %sign3A_111 = arith.cmpi slt, %add3A_101, %sign3A_110 : vector<16xi32>
    %sign3A_112 = arith.extui %sign3A_111 : vector<16xi1> to vector<16xi32>
    %sign3A_113 = arith.subi %sign3A_108, %sign3A_112 : vector<16xi32>
    %sign3A_114 = arith.constant 0 : i32
    %sign3A_115 = arith.cmpi sgt, %jit3A_102, %sign3A_114 : i32
    %sign3A_116 = arith.extui %sign3A_115 : i1 to i32
    %sign3A_117 = arith.constant 0 : i32
    %sign3A_118 = arith.cmpi slt, %jit3A_102, %sign3A_117 : i32
    %sign3A_119 = arith.extui %sign3A_118 : i1 to i32
    %sign3A_120 = arith.subi %sign3A_116, %sign3A_119 : i32
    %ne3A_121 = vector.broadcast %sign3A_120 : i32 to vector<16xi32>
    %ne3A_122 = arith.cmpi ne, %sign3A_113, %ne3A_121 : vector<16xi32>
    %rem3A_123 = vector.broadcast %jit3A_102 : i32 to vector<16xi32>
    %rem3A_124 = arith.remsi %add3A_101, %rem3A_123 : vector<16xi32>
    %ne3A_125 = arith.constant 0 : i32
    %ne3A_126 = vector.broadcast %ne3A_125 : i32 to vector<16xi32>
    %ne3A_127 = arith.cmpi ne, %rem3A_124, %ne3A_126 : vector<16xi32>
    %and3A_128 = arith.andi %ne3A_122, %ne3A_127 : vector<16xi1>
    %sub3A_129 = arith.constant 1 : i32
    %sub3A_130 = vector.broadcast %sub3A_129 : i32 to vector<16xi32>
    %sub3A_131 = arith.subi %div3A_104, %sub3A_130 : vector<16xi32>
    %select_n3A_132 = arith.select %and3A_128, %sub3A_131, %div3A_104 : vector<16xi1>, vector<16xi32>
    %add3A_133 = arith.constant 0 : i32
    %add3A_134 = vector.broadcast %add3A_133 : i32 to vector<16xi32>
    %add3A_135 = arith.addi %iota3A, %add3A_134 : vector<16xi32>
    %jit3A_136 = arith.constant 8 : i32
    %eq3A = arith.constant 0 : i32
    %eq3A_137 = arith.cmpi eq, %jit3A_136, %eq3A : i32
    %jit3A_138 = arith.constant 1 : i32
    %select_n3A_139 = arith.select %eq3A_137, %jit3A_138, %jit3A_136 : i32
    %rem3A_140 = vector.broadcast %select_n3A_139 : i32 to vector<16xi32>
    %rem3A_141 = arith.remsi %add3A_135, %rem3A_140 : vector<16xi32>
    %ne3A_142 = arith.constant 0 : i32
    %ne3A_143 = vector.broadcast %ne3A_142 : i32 to vector<16xi32>
    %ne3A_144 = arith.cmpi ne, %rem3A_141, %ne3A_143 : vector<16xi32>
    %lt3A = arith.constant 0 : i32
    %lt3A_145 = vector.broadcast %lt3A : i32 to vector<16xi32>
    %lt3A_146 = arith.cmpi slt, %rem3A_141, %lt3A_145 : vector<16xi32>
    %lt3A_147 = arith.constant 0 : i32
    %lt3A_148 = arith.cmpi slt, %select_n3A_139, %lt3A_147 : i32
    %ne3A_149 = vector.broadcast %lt3A_148 : i1 to vector<16xi1>
    %ne3A_150 = vector.broadcast %ne3A_149 : vector<16xi1> to vector<16xi1>
    %ne3A_151 = arith.xori %lt3A_146, %ne3A_150 : vector<16xi1>
    %and3A_152 = arith.andi %ne3A_151, %ne3A_144 : vector<16xi1>
    %add3A_153 = vector.broadcast %select_n3A_139 : i32 to vector<16xi32>
    %add3A_154 = arith.addi %rem3A_141, %add3A_153 : vector<16xi32>
    %select_n3A_155 = arith.select %and3A_152, %add3A_154, %rem3A_141 : vector<16xi1>, vector<16xi32>
    %add3A_156 = arith.constant 16 : i32
    %add3A_157 = vector.broadcast %add3A_156 : i32 to vector<16xi32>
    %add3A_158 = arith.addi %iota3A, %add3A_157 : vector<16xi32>
    %jit3A_159 = arith.constant 8 : i32
    %eq3A_160 = arith.constant 0 : i32
    %eq3A_161 = arith.cmpi eq, %jit3A_159, %eq3A_160 : i32
    %jit3A_162 = arith.constant 1 : i32
    %select_n3A_163 = arith.select %eq3A_161, %jit3A_162, %jit3A_159 : i32
    %rem3A_164 = vector.broadcast %select_n3A_163 : i32 to vector<16xi32>
    %rem3A_165 = arith.remsi %add3A_158, %rem3A_164 : vector<16xi32>
    %ne3A_166 = arith.constant 0 : i32
    %ne3A_167 = vector.broadcast %ne3A_166 : i32 to vector<16xi32>
    %ne3A_168 = arith.cmpi ne, %rem3A_165, %ne3A_167 : vector<16xi32>
    %lt3A_169 = arith.constant 0 : i32
    %lt3A_170 = vector.broadcast %lt3A_169 : i32 to vector<16xi32>
    %lt3A_171 = arith.cmpi slt, %rem3A_165, %lt3A_170 : vector<16xi32>
    %lt3A_172 = arith.constant 0 : i32
    %lt3A_173 = arith.cmpi slt, %select_n3A_163, %lt3A_172 : i32
    %ne3A_174 = vector.broadcast %lt3A_173 : i1 to vector<16xi1>
    %ne3A_175 = vector.broadcast %ne3A_174 : vector<16xi1> to vector<16xi1>
    %ne3A_176 = arith.xori %lt3A_171, %ne3A_175 : vector<16xi1>
    %and3A_177 = arith.andi %ne3A_176, %ne3A_168 : vector<16xi1>
    %add3A_178 = vector.broadcast %select_n3A_163 : i32 to vector<16xi32>
    %add3A_179 = arith.addi %rem3A_165, %add3A_178 : vector<16xi32>
    %select_n3A_180 = arith.select %and3A_177, %add3A_179, %rem3A_165 : vector<16xi1>, vector<16xi32>
    %add3A_181 = arith.constant 32 : i32
    %add3A_182 = vector.broadcast %add3A_181 : i32 to vector<16xi32>
    %add3A_183 = arith.addi %iota3A, %add3A_182 : vector<16xi32>
    %jit3A_184 = arith.constant 8 : i32
    %eq3A_185 = arith.constant 0 : i32
    %eq3A_186 = arith.cmpi eq, %jit3A_184, %eq3A_185 : i32
    %jit3A_187 = arith.constant 1 : i32
    %select_n3A_188 = arith.select %eq3A_186, %jit3A_187, %jit3A_184 : i32
    %rem3A_189 = vector.broadcast %select_n3A_188 : i32 to vector<16xi32>
    %rem3A_190 = arith.remsi %add3A_183, %rem3A_189 : vector<16xi32>
    %ne3A_191 = arith.constant 0 : i32
    %ne3A_192 = vector.broadcast %ne3A_191 : i32 to vector<16xi32>
    %ne3A_193 = arith.cmpi ne, %rem3A_190, %ne3A_192 : vector<16xi32>
    %lt3A_194 = arith.constant 0 : i32
    %lt3A_195 = vector.broadcast %lt3A_194 : i32 to vector<16xi32>
    %lt3A_196 = arith.cmpi slt, %rem3A_190, %lt3A_195 : vector<16xi32>
    %lt3A_197 = arith.constant 0 : i32
    %lt3A_198 = arith.cmpi slt, %select_n3A_188, %lt3A_197 : i32
    %ne3A_199 = vector.broadcast %lt3A_198 : i1 to vector<16xi1>
    %ne3A_200 = vector.broadcast %ne3A_199 : vector<16xi1> to vector<16xi1>
    %ne3A_201 = arith.xori %lt3A_196, %ne3A_200 : vector<16xi1>
    %and3A_202 = arith.andi %ne3A_201, %ne3A_193 : vector<16xi1>
    %add3A_203 = vector.broadcast %select_n3A_188 : i32 to vector<16xi32>
    %add3A_204 = arith.addi %rem3A_190, %add3A_203 : vector<16xi32>
    %select_n3A_205 = arith.select %and3A_202, %add3A_204, %rem3A_190 : vector<16xi1>, vector<16xi32>
    %add3A_206 = arith.constant 48 : i32
    %add3A_207 = vector.broadcast %add3A_206 : i32 to vector<16xi32>
    %add3A_208 = arith.addi %iota3A, %add3A_207 : vector<16xi32>
    %jit3A_209 = arith.constant 8 : i32
    %eq3A_210 = arith.constant 0 : i32
    %eq3A_211 = arith.cmpi eq, %jit3A_209, %eq3A_210 : i32
    %jit3A_212 = arith.constant 1 : i32
    %select_n3A_213 = arith.select %eq3A_211, %jit3A_212, %jit3A_209 : i32
    %rem3A_214 = vector.broadcast %select_n3A_213 : i32 to vector<16xi32>
    %rem3A_215 = arith.remsi %add3A_208, %rem3A_214 : vector<16xi32>
    %ne3A_216 = arith.constant 0 : i32
    %ne3A_217 = vector.broadcast %ne3A_216 : i32 to vector<16xi32>
    %ne3A_218 = arith.cmpi ne, %rem3A_215, %ne3A_217 : vector<16xi32>
    %lt3A_219 = arith.constant 0 : i32
    %lt3A_220 = vector.broadcast %lt3A_219 : i32 to vector<16xi32>
    %lt3A_221 = arith.cmpi slt, %rem3A_215, %lt3A_220 : vector<16xi32>
    %lt3A_222 = arith.constant 0 : i32
    %lt3A_223 = arith.cmpi slt, %select_n3A_213, %lt3A_222 : i32
    %ne3A_224 = vector.broadcast %lt3A_223 : i1 to vector<16xi1>
    %ne3A_225 = vector.broadcast %ne3A_224 : vector<16xi1> to vector<16xi1>
    %ne3A_226 = arith.xori %lt3A_221, %ne3A_225 : vector<16xi1>
    %and3A_227 = arith.andi %ne3A_226, %ne3A_218 : vector<16xi1>
    %add3A_228 = vector.broadcast %select_n3A_213 : i32 to vector<16xi32>
    %add3A_229 = arith.addi %rem3A_215, %add3A_228 : vector<16xi32>
    %select_n3A_230 = arith.select %and3A_227, %add3A_229, %rem3A_215 : vector<16xi1>, vector<16xi32>
    %scan3A = arith.constant 0 : i32
    %scan3A_231 = arith.constant 0 : i32
    %scan3A_232 = arith.constant 50 : i32
    %scan3A_233 = arith.addi %scan3A_231, %scan3A_232 : i32
    %scan3A_234 = arith.constant 1 : i32
    scf.for %scan3A_327 = %scan3A_231 to %scan3A_233 step %scan3A_234  : i32 {
      %gt3A = arith.constant 0 : i32
      %gt3A_328 = arith.cmpi sgt, %scan3A_327, %gt3A : i32
      %convert_element_type3A = arith.extui %gt3A_328 : i1 to i32
      %cond3A = arith.constant 0 : i32
      %cond3A_329 = arith.cmpi ne, %convert_element_type3A, %cond3A : i32
      scf.if %cond3A_329 {
        %dma_wait3A_519 = arith.constant 0 : i32
        %dma_wait3A_520 = arith.constant 0 : i32
        %dma_wait3A_521 = arith.constant 0 : i32
        %dma_wait3A_522 = arith.constant 0 : i32
        %dma_wait3A_523 = arith.constant 0 : i32
        %dma_wait3A_524 = arith.constant 0 : i32
        %dma_wait3A_525 = tpu.memref_slice %arg10[%dma_wait3A_522, %dma_wait3A_523, %dma_wait3A_524] : memref<8x8x129xf32, #tpu.memory_space<vmem>> -> memref<8x8x128xf32, #tpu.memory_space<vmem>>
        %dma_wait3A_526 = arith.constant 0 : i32
        %dma_wait3A_527 = arith.constant 0 : i32
        %dma_wait3A_528 = arith.constant 0 : i32
        %dma_wait3A_529 = tpu.memref_slice %arg4[%dma_wait3A_519, %dma_wait3A_526, %dma_wait3A_520, %dma_wait3A_527, %dma_wait3A_528] : memref<50x8x128x8x128xf32, #tpu.memory_space<hbm>> -> memref<1x8x1x8x128xf32, #tpu.memory_space<hbm>>
        %dma_wait3A_530 = tpu.memref_squeeze %dma_wait3A_529 : memref<1x8x1x8x128xf32, #tpu.memory_space<hbm>> -> memref<8x8x128xf32, #tpu.memory_space<hbm>>
        %dma_wait3A_531 = tpu.memref_slice %arg15[%dma_wait3A_521] : memref<4x!tpu.dma_semaphore, #tpu.memory_space<semaphore_mem>> -> memref<1x!tpu.dma_semaphore, #tpu.memory_space<semaphore_mem>>
        %dma_wait3A_532 = tpu.memref_squeeze %dma_wait3A_531 : memref<1x!tpu.dma_semaphore, #tpu.memory_space<semaphore_mem>> -> memref<!tpu.dma_semaphore, #tpu.memory_space<semaphore_mem>>
        %dma_wait3A_533 = arith.constant 0 : i32
        %dma_wait3A_534 = arith.constant 0 : i32
        %dma_wait3A_535 = arith.constant 0 : i32
        %dma_wait3A_536 = tpu.memref_slice %arg4[%dma_wait3A_519, %dma_wait3A_533, %dma_wait3A_520, %dma_wait3A_534, %dma_wait3A_535] : memref<50x8x128x8x128xf32, #tpu.memory_space<hbm>> -> memref<1x8x1x8x128xf32, #tpu.memory_space<hbm>>
        %dma_wait3A_537 = tpu.memref_squeeze %dma_wait3A_536 : memref<1x8x1x8x128xf32, #tpu.memory_space<hbm>> -> memref<8x8x128xf32, #tpu.memory_space<hbm>>
        %dma_wait3A_538 = arith.constant 0 : i32
        %dma_wait3A_539 = arith.constant 0 : i32
        %dma_wait3A_540 = arith.constant 0 : i32
        %dma_wait3A_541 = tpu.memref_slice %arg10[%dma_wait3A_538, %dma_wait3A_539, %dma_wait3A_540] : memref<8x8x129xf32, #tpu.memory_space<vmem>> -> memref<8x8x128xf32, #tpu.memory_space<vmem>>
        tpu.wait_dma2 semaphore(%dma_wait3A_532 : memref<!tpu.dma_semaphore, #tpu.memory_space<semaphore_mem>>) src(%dma_wait3A_541 : memref<8x8x128xf32, #tpu.memory_space<vmem>>) dst(%dma_wait3A_537 : memref<8x8x128xf32, #tpu.memory_space<hbm>>)
      } else {
      }
      %dma_start3A = arith.constant 0 : i32
      %dma_start3A_330 = arith.constant 0 : i32
      %dma_start3A_331 = tpu.memref_slice %arg5[%scan3A_327, %dma_start3A_330] : memref<50x512xi32, #tpu.memory_space<vmem>> -> memref<1x128xi32, #tpu.memory_space<vmem>>
      %dma_start3A_332 = tpu.memref_squeeze %dma_start3A_331 : memref<1x128xi32, #tpu.memory_space<vmem>> -> memref<128xi32, #tpu.memory_space<vmem>>
      %dma_start3A_333 = arith.constant 0 : i32
      %dma_start3A_334 = arith.constant 0 : i32
      %dma_start3A_335 = tpu.memref_slice %arg3[%dma_start3A_333, %dma_start3A_334] : memref<1000000x64xf32, #tpu.memory_space<hbm>> -> memref<1000000x64xf32, #tpu.memory_space<hbm>>
      %dma_start3A_336 = tpu.memref_slice %arg14[%dma_start3A] : memref<4x!tpu.dma_semaphore, #tpu.memory_space<semaphore_mem>> -> memref<1x!tpu.dma_semaphore, #tpu.memory_space<semaphore_mem>>
      %dma_start3A_337 = tpu.memref_squeeze %dma_start3A_336 : memref<1x!tpu.dma_semaphore, #tpu.memory_space<semaphore_mem>> -> memref<!tpu.dma_semaphore, #tpu.memory_space<semaphore_mem>>
      tpu.enqueue_indirect_dma source(%dma_start3A_335 : memref<1000000x64xf32, #tpu.memory_space<hbm>>) target(%arg6 : memref<128x64xf32, #tpu.memory_space<vmem>>) offsets(%dma_start3A_332 : memref<128xi32, #tpu.memory_space<vmem>>) semaphore(%dma_start3A_337 : memref<!tpu.dma_semaphore, #tpu.memory_space<semaphore_mem>>)
      %gt3A_338 = arith.constant 0 : i32
      %gt3A_339 = arith.cmpi sgt, %scan3A_327, %gt3A_338 : i32
      %convert_element_type3A_340 = arith.extui %gt3A_339 : i1 to i32
      %cond3A_341 = arith.constant 0 : i32
      %cond3A_342 = arith.cmpi ne, %convert_element_type3A_340, %cond3A_341 : i32
      scf.if %cond3A_342 {
        %dma_wait3A_519 = arith.constant 0 : i32
        %dma_wait3A_520 = arith.constant 0 : i32
        %dma_wait3A_521 = arith.constant 1 : i32
        %dma_wait3A_522 = arith.constant 0 : i32
        %dma_wait3A_523 = arith.constant 0 : i32
        %dma_wait3A_524 = arith.constant 0 : i32
        %dma_wait3A_525 = tpu.memref_slice %arg11[%dma_wait3A_522, %dma_wait3A_523, %dma_wait3A_524] : memref<8x8x129xf32, #tpu.memory_space<vmem>> -> memref<8x8x128xf32, #tpu.memory_space<vmem>>
        %dma_wait3A_526 = arith.constant 0 : i32
        %dma_wait3A_527 = arith.constant 0 : i32
        %dma_wait3A_528 = arith.constant 0 : i32
        %dma_wait3A_529 = tpu.memref_slice %arg4[%dma_wait3A_519, %dma_wait3A_526, %dma_wait3A_520, %dma_wait3A_527, %dma_wait3A_528] : memref<50x8x128x8x128xf32, #tpu.memory_space<hbm>> -> memref<1x8x1x8x128xf32, #tpu.memory_space<hbm>>
        %dma_wait3A_530 = tpu.memref_squeeze %dma_wait3A_529 : memref<1x8x1x8x128xf32, #tpu.memory_space<hbm>> -> memref<8x8x128xf32, #tpu.memory_space<hbm>>
        %dma_wait3A_531 = tpu.memref_slice %arg15[%dma_wait3A_521] : memref<4x!tpu.dma_semaphore, #tpu.memory_space<semaphore_mem>> -> memref<1x!tpu.dma_semaphore, #tpu.memory_space<semaphore_mem>>
        %dma_wait3A_532 = tpu.memref_squeeze %dma_wait3A_531 : memref<1x!tpu.dma_semaphore, #tpu.memory_space<semaphore_mem>> -> memref<!tpu.dma_semaphore, #tpu.memory_space<semaphore_mem>>
        %dma_wait3A_533 = arith.constant 0 : i32
        %dma_wait3A_534 = arith.constant 0 : i32
        %dma_wait3A_535 = arith.constant 0 : i32
        %dma_wait3A_536 = tpu.memref_slice %arg4[%dma_wait3A_519, %dma_wait3A_533, %dma_wait3A_520, %dma_wait3A_534, %dma_wait3A_535] : memref<50x8x128x8x128xf32, #tpu.memory_space<hbm>> -> memref<1x8x1x8x128xf32, #tpu.memory_space<hbm>>
        %dma_wait3A_537 = tpu.memref_squeeze %dma_wait3A_536 : memref<1x8x1x8x128xf32, #tpu.memory_space<hbm>> -> memref<8x8x128xf32, #tpu.memory_space<hbm>>
        %dma_wait3A_538 = arith.constant 0 : i32
        %dma_wait3A_539 = arith.constant 0 : i32
        %dma_wait3A_540 = arith.constant 0 : i32
        %dma_wait3A_541 = tpu.memref_slice %arg11[%dma_wait3A_538, %dma_wait3A_539, %dma_wait3A_540] : memref<8x8x129xf32, #tpu.memory_space<vmem>> -> memref<8x8x128xf32, #tpu.memory_space<vmem>>
        tpu.wait_dma2 semaphore(%dma_wait3A_532 : memref<!tpu.dma_semaphore, #tpu.memory_space<semaphore_mem>>) src(%dma_wait3A_541 : memref<8x8x128xf32, #tpu.memory_space<vmem>>) dst(%dma_wait3A_537 : memref<8x8x128xf32, #tpu.memory_space<hbm>>)
      } else {
      }
      %dma_start3A_343 = arith.constant 1 : i32
      %dma_start3A_344 = arith.constant 128 : i32
      %dma_start3A_345 = tpu.memref_slice %arg5[%scan3A_327, %dma_start3A_344] : memref<50x512xi32, #tpu.memory_space<vmem>> -> memref<1x128xi32, #tpu.memory_space<vmem>>
      %dma_start3A_346 = tpu.memref_squeeze %dma_start3A_345 : memref<1x128xi32, #tpu.memory_space<vmem>> -> memref<128xi32, #tpu.memory_space<vmem>>
      %dma_start3A_347 = arith.constant 0 : i32
      %dma_start3A_348 = arith.constant 0 : i32
      %dma_start3A_349 = tpu.memref_slice %arg3[%dma_start3A_347, %dma_start3A_348] : memref<1000000x64xf32, #tpu.memory_space<hbm>> -> memref<1000000x64xf32, #tpu.memory_space<hbm>>
      %dma_start3A_350 = tpu.memref_slice %arg14[%dma_start3A_343] : memref<4x!tpu.dma_semaphore, #tpu.memory_space<semaphore_mem>> -> memref<1x!tpu.dma_semaphore, #tpu.memory_space<semaphore_mem>>
      %dma_start3A_351 = tpu.memref_squeeze %dma_start3A_350 : memref<1x!tpu.dma_semaphore, #tpu.memory_space<semaphore_mem>> -> memref<!tpu.dma_semaphore, #tpu.memory_space<semaphore_mem>>
      tpu.enqueue_indirect_dma source(%dma_start3A_349 : memref<1000000x64xf32, #tpu.memory_space<hbm>>) target(%arg7 : memref<128x64xf32, #tpu.memory_space<vmem>>) offsets(%dma_start3A_346 : memref<128xi32, #tpu.memory_space<vmem>>) semaphore(%dma_start3A_351 : memref<!tpu.dma_semaphore, #tpu.memory_space<semaphore_mem>>)
      %gt3A_352 = arith.constant 0 : i32
      %gt3A_353 = arith.cmpi sgt, %scan3A_327, %gt3A_352 : i32
      %convert_element_type3A_354 = arith.extui %gt3A_353 : i1 to i32
      %cond3A_355 = arith.constant 0 : i32
      %cond3A_356 = arith.cmpi ne, %convert_element_type3A_354, %cond3A_355 : i32
      scf.if %cond3A_356 {
        %dma_wait3A_519 = arith.constant 0 : i32
        %dma_wait3A_520 = arith.constant 0 : i32
        %dma_wait3A_521 = arith.constant 2 : i32
        %dma_wait3A_522 = arith.constant 0 : i32
        %dma_wait3A_523 = arith.constant 0 : i32
        %dma_wait3A_524 = arith.constant 0 : i32
        %dma_wait3A_525 = tpu.memref_slice %arg12[%dma_wait3A_522, %dma_wait3A_523, %dma_wait3A_524] : memref<8x8x129xf32, #tpu.memory_space<vmem>> -> memref<8x8x128xf32, #tpu.memory_space<vmem>>
        %dma_wait3A_526 = arith.constant 0 : i32
        %dma_wait3A_527 = arith.constant 0 : i32
        %dma_wait3A_528 = arith.constant 0 : i32
        %dma_wait3A_529 = tpu.memref_slice %arg4[%dma_wait3A_519, %dma_wait3A_526, %dma_wait3A_520, %dma_wait3A_527, %dma_wait3A_528] : memref<50x8x128x8x128xf32, #tpu.memory_space<hbm>> -> memref<1x8x1x8x128xf32, #tpu.memory_space<hbm>>
        %dma_wait3A_530 = tpu.memref_squeeze %dma_wait3A_529 : memref<1x8x1x8x128xf32, #tpu.memory_space<hbm>> -> memref<8x8x128xf32, #tpu.memory_space<hbm>>
        %dma_wait3A_531 = tpu.memref_slice %arg15[%dma_wait3A_521] : memref<4x!tpu.dma_semaphore, #tpu.memory_space<semaphore_mem>> -> memref<1x!tpu.dma_semaphore, #tpu.memory_space<semaphore_mem>>
        %dma_wait3A_532 = tpu.memref_squeeze %dma_wait3A_531 : memref<1x!tpu.dma_semaphore, #tpu.memory_space<semaphore_mem>> -> memref<!tpu.dma_semaphore, #tpu.memory_space<semaphore_mem>>
        %dma_wait3A_533 = arith.constant 0 : i32
        %dma_wait3A_534 = arith.constant 0 : i32
        %dma_wait3A_535 = arith.constant 0 : i32
        %dma_wait3A_536 = tpu.memref_slice %arg4[%dma_wait3A_519, %dma_wait3A_533, %dma_wait3A_520, %dma_wait3A_534, %dma_wait3A_535] : memref<50x8x128x8x128xf32, #tpu.memory_space<hbm>> -> memref<1x8x1x8x128xf32, #tpu.memory_space<hbm>>
        %dma_wait3A_537 = tpu.memref_squeeze %dma_wait3A_536 : memref<1x8x1x8x128xf32, #tpu.memory_space<hbm>> -> memref<8x8x128xf32, #tpu.memory_space<hbm>>
        %dma_wait3A_538 = arith.constant 0 : i32
        %dma_wait3A_539 = arith.constant 0 : i32
        %dma_wait3A_540 = arith.constant 0 : i32
        %dma_wait3A_541 = tpu.memref_slice %arg12[%dma_wait3A_538, %dma_wait3A_539, %dma_wait3A_540] : memref<8x8x129xf32, #tpu.memory_space<vmem>> -> memref<8x8x128xf32, #tpu.memory_space<vmem>>
        tpu.wait_dma2 semaphore(%dma_wait3A_532 : memref<!tpu.dma_semaphore, #tpu.memory_space<semaphore_mem>>) src(%dma_wait3A_541 : memref<8x8x128xf32, #tpu.memory_space<vmem>>) dst(%dma_wait3A_537 : memref<8x8x128xf32, #tpu.memory_space<hbm>>)
      } else {
      }
      %dma_start3A_357 = arith.constant 2 : i32
      %dma_start3A_358 = arith.constant 256 : i32
      %dma_start3A_359 = tpu.memref_slice %arg5[%scan3A_327, %dma_start3A_358] : memref<50x512xi32, #tpu.memory_space<vmem>> -> memref<1x128xi32, #tpu.memory_space<vmem>>
      %dma_start3A_360 = tpu.memref_squeeze %dma_start3A_359 : memref<1x128xi32, #tpu.memory_space<vmem>> -> memref<128xi32, #tpu.memory_space<vmem>>
      %dma_start3A_361 = arith.constant 0 : i32
      %dma_start3A_362 = arith.constant 0 : i32
      %dma_start3A_363 = tpu.memref_slice %arg3[%dma_start3A_361, %dma_start3A_362] : memref<1000000x64xf32, #tpu.memory_space<hbm>> -> memref<1000000x64xf32, #tpu.memory_space<hbm>>
      %dma_start3A_364 = tpu.memref_slice %arg14[%dma_start3A_357] : memref<4x!tpu.dma_semaphore, #tpu.memory_space<semaphore_mem>> -> memref<1x!tpu.dma_semaphore, #tpu.memory_space<semaphore_mem>>
      %dma_start3A_365 = tpu.memref_squeeze %dma_start3A_364 : memref<1x!tpu.dma_semaphore, #tpu.memory_space<semaphore_mem>> -> memref<!tpu.dma_semaphore, #tpu.memory_space<semaphore_mem>>
      tpu.enqueue_indirect_dma source(%dma_start3A_363 : memref<1000000x64xf32, #tpu.memory_space<hbm>>) target(%arg8 : memref<128x64xf32, #tpu.memory_space<vmem>>) offsets(%dma_start3A_360 : memref<128xi32, #tpu.memory_space<vmem>>) semaphore(%dma_start3A_365 : memref<!tpu.dma_semaphore, #tpu.memory_space<semaphore_mem>>)
      %gt3A_366 = arith.constant 0 : i32
      %gt3A_367 = arith.cmpi sgt, %scan3A_327, %gt3A_366 : i32
      %convert_element_type3A_368 = arith.extui %gt3A_367 : i1 to i32
      %cond3A_369 = arith.constant 0 : i32
      %cond3A_370 = arith.cmpi ne, %convert_element_type3A_368, %cond3A_369 : i32
      scf.if %cond3A_370 {
        %dma_wait3A_519 = arith.constant 0 : i32
        %dma_wait3A_520 = arith.constant 0 : i32
        %dma_wait3A_521 = arith.constant 3 : i32
        %dma_wait3A_522 = arith.constant 0 : i32
        %dma_wait3A_523 = arith.constant 0 : i32
        %dma_wait3A_524 = arith.constant 0 : i32
        %dma_wait3A_525 = tpu.memref_slice %arg13[%dma_wait3A_522, %dma_wait3A_523, %dma_wait3A_524] : memref<8x8x129xf32, #tpu.memory_space<vmem>> -> memref<8x8x128xf32, #tpu.memory_space<vmem>>
        %dma_wait3A_526 = arith.constant 0 : i32
        %dma_wait3A_527 = arith.constant 0 : i32
        %dma_wait3A_528 = arith.constant 0 : i32
        %dma_wait3A_529 = tpu.memref_slice %arg4[%dma_wait3A_519, %dma_wait3A_526, %dma_wait3A_520, %dma_wait3A_527, %dma_wait3A_528] : memref<50x8x128x8x128xf32, #tpu.memory_space<hbm>> -> memref<1x8x1x8x128xf32, #tpu.memory_space<hbm>>
        %dma_wait3A_530 = tpu.memref_squeeze %dma_wait3A_529 : memref<1x8x1x8x128xf32, #tpu.memory_space<hbm>> -> memref<8x8x128xf32, #tpu.memory_space<hbm>>
        %dma_wait3A_531 = tpu.memref_slice %arg15[%dma_wait3A_521] : memref<4x!tpu.dma_semaphore, #tpu.memory_space<semaphore_mem>> -> memref<1x!tpu.dma_semaphore, #tpu.memory_space<semaphore_mem>>
        %dma_wait3A_532 = tpu.memref_squeeze %dma_wait3A_531 : memref<1x!tpu.dma_semaphore, #tpu.memory_space<semaphore_mem>> -> memref<!tpu.dma_semaphore, #tpu.memory_space<semaphore_mem>>
        %dma_wait3A_533 = arith.constant 0 : i32
        %dma_wait3A_534 = arith.constant 0 : i32
        %dma_wait3A_535 = arith.constant 0 : i32
        %dma_wait3A_536 = tpu.memref_slice %arg4[%dma_wait3A_519, %dma_wait3A_533, %dma_wait3A_520, %dma_wait3A_534, %dma_wait3A_535] : memref<50x8x128x8x128xf32, #tpu.memory_space<hbm>> -> memref<1x8x1x8x128xf32, #tpu.memory_space<hbm>>
        %dma_wait3A_537 = tpu.memref_squeeze %dma_wait3A_536 : memref<1x8x1x8x128xf32, #tpu.memory_space<hbm>> -> memref<8x8x128xf32, #tpu.memory_space<hbm>>
        %dma_wait3A_538 = arith.constant 0 : i32
        %dma_wait3A_539 = arith.constant 0 : i32
        %dma_wait3A_540 = arith.constant 0 : i32
        %dma_wait3A_541 = tpu.memref_slice %arg13[%dma_wait3A_538, %dma_wait3A_539, %dma_wait3A_540] : memref<8x8x129xf32, #tpu.memory_space<vmem>> -> memref<8x8x128xf32, #tpu.memory_space<vmem>>
        tpu.wait_dma2 semaphore(%dma_wait3A_532 : memref<!tpu.dma_semaphore, #tpu.memory_space<semaphore_mem>>) src(%dma_wait3A_541 : memref<8x8x128xf32, #tpu.memory_space<vmem>>) dst(%dma_wait3A_537 : memref<8x8x128xf32, #tpu.memory_space<hbm>>)
      } else {
      }
      %dma_start3A_371 = arith.constant 3 : i32
      %dma_start3A_372 = arith.constant 384 : i32
      %dma_start3A_373 = tpu.memref_slice %arg5[%scan3A_327, %dma_start3A_372] : memref<50x512xi32, #tpu.memory_space<vmem>> -> memref<1x128xi32, #tpu.memory_space<vmem>>
      %dma_start3A_374 = tpu.memref_squeeze %dma_start3A_373 : memref<1x128xi32, #tpu.memory_space<vmem>> -> memref<128xi32, #tpu.memory_space<vmem>>
      %dma_start3A_375 = arith.constant 0 : i32
      %dma_start3A_376 = arith.constant 0 : i32
      %dma_start3A_377 = tpu.memref_slice %arg3[%dma_start3A_375, %dma_start3A_376] : memref<1000000x64xf32, #tpu.memory_space<hbm>> -> memref<1000000x64xf32, #tpu.memory_space<hbm>>
      %dma_start3A_378 = tpu.memref_slice %arg14[%dma_start3A_371] : memref<4x!tpu.dma_semaphore, #tpu.memory_space<semaphore_mem>> -> memref<1x!tpu.dma_semaphore, #tpu.memory_space<semaphore_mem>>
      %dma_start3A_379 = tpu.memref_squeeze %dma_start3A_378 : memref<1x!tpu.dma_semaphore, #tpu.memory_space<semaphore_mem>> -> memref<!tpu.dma_semaphore, #tpu.memory_space<semaphore_mem>>
      tpu.enqueue_indirect_dma source(%dma_start3A_377 : memref<1000000x64xf32, #tpu.memory_space<hbm>>) target(%arg9 : memref<128x64xf32, #tpu.memory_space<vmem>>) offsets(%dma_start3A_374 : memref<128xi32, #tpu.memory_space<vmem>>) semaphore(%dma_start3A_379 : memref<!tpu.dma_semaphore, #tpu.memory_space<semaphore_mem>>)
      %dma_wait3A_380 = arith.constant 0 : i32
      %dma_wait3A_381 = arith.constant 0 : i32
      %dma_wait3A_382 = arith.constant 0 : i32
      %dma_wait3A_383 = tpu.memref_slice %arg3[%dma_wait3A_381, %dma_wait3A_382] : memref<1000000x64xf32, #tpu.memory_space<hbm>> -> memref<128x64xf32, #tpu.memory_space<hbm>>
      %dma_wait3A_384 = tpu.memref_slice %arg14[%dma_wait3A_380] : memref<4x!tpu.dma_semaphore, #tpu.memory_space<semaphore_mem>> -> memref<1x!tpu.dma_semaphore, #tpu.memory_space<semaphore_mem>>
      %dma_wait3A_385 = tpu.memref_squeeze %dma_wait3A_384 : memref<1x!tpu.dma_semaphore, #tpu.memory_space<semaphore_mem>> -> memref<!tpu.dma_semaphore, #tpu.memory_space<semaphore_mem>>
      %dma_wait3A_386 = arith.constant 0 : i32
      %dma_wait3A_387 = arith.constant 0 : i32
      %dma_wait3A_388 = tpu.memref_slice %arg3[%dma_wait3A_386, %dma_wait3A_387] : memref<1000000x64xf32, #tpu.memory_space<hbm>> -> memref<128x64xf32, #tpu.memory_space<hbm>>
      tpu.wait_dma2 semaphore(%dma_wait3A_385 : memref<!tpu.dma_semaphore, #tpu.memory_space<semaphore_mem>>) src(%dma_wait3A_388 : memref<128x64xf32, #tpu.memory_space<hbm>>) dst(%arg6 : memref<128x64xf32, #tpu.memory_space<vmem>>)
      %parallel_loop3A = arith.constant 0 : i32
      %parallel_loop3A_389 = arith.constant 128 : i32
      %parallel_loop3A_390 = arith.constant 1 : i32
      scf.for %parallel_loop3A_519 = %parallel_loop3A to %parallel_loop3A_389 step %parallel_loop3A_390  : i32 {
        %parallel_loop3A_520 = vector.broadcast %parallel_loop3A_519 : i32 to vector<16xi32>
        %parallel_loop3A_521 = arith.index_cast %parallel_loop3A_519 : i32 to index
        %parallel_loop3A_522 = arith.constant 0 : index
        %parallel_loop3A_523 = tpu.vector_load %arg6[%parallel_loop3A_521, %parallel_loop3A_522] {strides = array<i32>} : memref<128x64xf32, #tpu.memory_space<vmem>>, vector<16xf32>,
        tpu.vector_store_idx %arg10[%select_n3A, %select_n3A_155, %parallel_loop3A_520], %parallel_loop3A_523 : memref<8x8x129xf32, #tpu.memory_space<vmem>>[vector<16xi32>, vector<16xi32>, vector<16xi32>], vector<16xf32>,
        %parallel_loop3A_524 = arith.index_cast %parallel_loop3A_519 : i32 to index
        %parallel_loop3A_525 = arith.constant 16 : index
        %parallel_loop3A_526 = tpu.vector_load %arg6[%parallel_loop3A_524, %parallel_loop3A_525] {strides = array<i32>} : memref<128x64xf32, #tpu.memory_space<vmem>>, vector<16xf32>,
        tpu.vector_store_idx %arg10[%select_n3A_64, %select_n3A_180, %parallel_loop3A_520], %parallel_loop3A_526 : memref<8x8x129xf32, #tpu.memory_space<vmem>>[vector<16xi32>, vector<16xi32>, vector<16xi32>], vector<16xf32>,
        %parallel_loop3A_527 = arith.index_cast %parallel_loop3A_519 : i32 to index
        %parallel_loop3A_528 = arith.constant 32 : index
        %parallel_loop3A_529 = tpu.vector_load %arg6[%parallel_loop3A_527, %parallel_loop3A_528] {strides = array<i32>} : memref<128x64xf32, #tpu.memory_space<vmem>>, vector<16xf32>,
        tpu.vector_store_idx %arg10[%select_n3A_98, %select_n3A_205, %parallel_loop3A_520], %parallel_loop3A_529 : memref<8x8x129xf32, #tpu.memory_space<vmem>>[vector<16xi32>, vector<16xi32>, vector<16xi32>], vector<16xf32>,
        %parallel_loop3A_530 = arith.index_cast %parallel_loop3A_519 : i32 to index
        %parallel_loop3A_531 = arith.constant 48 : index
        %parallel_loop3A_532 = tpu.vector_load %arg6[%parallel_loop3A_530, %parallel_loop3A_531] {strides = array<i32>} : memref<128x64xf32, #tpu.memory_space<vmem>>, vector<16xf32>,
        tpu.vector_store_idx %arg10[%select_n3A_132, %select_n3A_230, %parallel_loop3A_520], %parallel_loop3A_532 : memref<8x8x129xf32, #tpu.memory_space<vmem>>[vector<16xi32>, vector<16xi32>, vector<16xi32>], vector<16xf32>,
      } {sc.loop_unroll_factor = 8 : i64, sc.parallel_access}
      %add3A_391 = arith.constant 0 : i32
      %add3A_392 = arith.addi %mul3A_4, %add3A_391 : i32
      %dma_start3A_393 = arith.constant 0 : i32
      %dma_start3A_394 = arith.constant 0 : i32
      %dma_start3A_395 = arith.constant 0 : i32
      %dma_start3A_396 = arith.constant 0 : i32
      %dma_start3A_397 = tpu.memref_slice %arg10[%dma_start3A_394, %dma_start3A_395, %dma_start3A_396] : memref<8x8x129xf32, #tpu.memory_space<vmem>> -> memref<8x8x128xf32, #tpu.memory_space<vmem>>
      %dma_start3A_398 = arith.constant 0 : i32
      %dma_start3A_399 = arith.constant 0 : i32
      %dma_start3A_400 = arith.constant 0 : i32
      %dma_start3A_401 = tpu.memref_slice %arg4[%scan3A_327, %dma_start3A_398, %add3A_392, %dma_start3A_399, %dma_start3A_400] : memref<50x8x128x8x128xf32, #tpu.memory_space<hbm>> -> memref<1x8x1x8x128xf32, #tpu.memory_space<hbm>>
      %dma_start3A_402 = tpu.memref_squeeze %dma_start3A_401 : memref<1x8x1x8x128xf32, #tpu.memory_space<hbm>> -> memref<8x8x128xf32, #tpu.memory_space<hbm>>
      %dma_start3A_403 = tpu.memref_slice %arg15[%dma_start3A_393] : memref<4x!tpu.dma_semaphore, #tpu.memory_space<semaphore_mem>> -> memref<1x!tpu.dma_semaphore, #tpu.memory_space<semaphore_mem>>
      %dma_start3A_404 = tpu.memref_squeeze %dma_start3A_403 : memref<1x!tpu.dma_semaphore, #tpu.memory_space<semaphore_mem>> -> memref<!tpu.dma_semaphore, #tpu.memory_space<semaphore_mem>>
      %dma_start3A_405 = arith.constant 0 : i32
      %dma_start3A_406 = arith.constant 0 : i32
      %dma_start3A_407 = arith.constant 0 : i32
      %dma_start3A_408 = tpu.memref_slice %arg4[%scan3A_327, %dma_start3A_405, %add3A_392, %dma_start3A_406, %dma_start3A_407] : memref<50x8x128x8x128xf32, #tpu.memory_space<hbm>> -> memref<1x8x1x8x128xf32, #tpu.memory_space<hbm>>
      %dma_start3A_409 = tpu.memref_squeeze %dma_start3A_408 : memref<1x8x1x8x128xf32, #tpu.memory_space<hbm>> -> memref<8x8x128xf32, #tpu.memory_space<hbm>>
      %dma_start3A_410 = arith.constant 0 : i32
      %dma_start3A_411 = arith.constant 0 : i32
      %dma_start3A_412 = arith.constant 0 : i32
      %dma_start3A_413 = tpu.memref_slice %arg10[%dma_start3A_410, %dma_start3A_411, %dma_start3A_412] : memref<8x8x129xf32, #tpu.memory_space<vmem>> -> memref<8x8x128xf32, #tpu.memory_space<vmem>>
      tpu.enqueue_dma source(%dma_start3A_413 : memref<8x8x128xf32, #tpu.memory_space<vmem>>) target(%dma_start3A_409 : memref<8x8x128xf32, #tpu.memory_space<hbm>>) target_semaphore(%dma_start3A_404 : memref<!tpu.dma_semaphore, #tpu.memory_space<semaphore_mem>>)
      %dma_wait3A_414 = arith.constant 1 : i32
      %dma_wait3A_415 = arith.constant 0 : i32
      %dma_wait3A_416 = arith.constant 0 : i32
      %dma_wait3A_417 = tpu.memref_slice %arg3[%dma_wait3A_415, %dma_wait3A_416] : memref<1000000x64xf32, #tpu.memory_space<hbm>> -> memref<128x64xf32, #tpu.memory_space<hbm>>
      %dma_wait3A_418 = tpu.memref_slice %arg14[%dma_wait3A_414] : memref<4x!tpu.dma_semaphore, #tpu.memory_space<semaphore_mem>> -> memref<1x!tpu.dma_semaphore, #tpu.memory_space<semaphore_mem>>
      %dma_wait3A_419 = tpu.memref_squeeze %dma_wait3A_418 : memref<1x!tpu.dma_semaphore, #tpu.memory_space<semaphore_mem>> -> memref<!tpu.dma_semaphore, #tpu.memory_space<semaphore_mem>>
      %dma_wait3A_420 = arith.constant 0 : i32
      %dma_wait3A_421 = arith.constant 0 : i32
      %dma_wait3A_422 = tpu.memref_slice %arg3[%dma_wait3A_420, %dma_wait3A_421] : memref<1000000x64xf32, #tpu.memory_space<hbm>> -> memref<128x64xf32, #tpu.memory_space<hbm>>
      tpu.wait_dma2 semaphore(%dma_wait3A_419 : memref<!tpu.dma_semaphore, #tpu.memory_space<semaphore_mem>>) src(%dma_wait3A_422 : memref<128x64xf32, #tpu.memory_space<hbm>>) dst(%arg7 : memref<128x64xf32, #tpu.memory_space<vmem>>)
      %parallel_loop3A_423 = arith.constant 0 : i32
      %parallel_loop3A_424 = arith.constant 128 : i32
      %parallel_loop3A_425 = arith.constant 1 : i32
      scf.for %parallel_loop3A_519 = %parallel_loop3A_423 to %parallel_loop3A_424 step %parallel_loop3A_425  : i32 {
        %parallel_loop3A_520 = vector.broadcast %parallel_loop3A_519 : i32 to vector<16xi32>
        %parallel_loop3A_521 = arith.index_cast %parallel_loop3A_519 : i32 to index
        %parallel_loop3A_522 = arith.constant 0 : index
        %parallel_loop3A_523 = tpu.vector_load %arg7[%parallel_loop3A_521, %parallel_loop3A_522] {strides = array<i32>} : memref<128x64xf32, #tpu.memory_space<vmem>>, vector<16xf32>,
        tpu.vector_store_idx %arg11[%select_n3A, %select_n3A_155, %parallel_loop3A_520], %parallel_loop3A_523 : memref<8x8x129xf32, #tpu.memory_space<vmem>>[vector<16xi32>, vector<16xi32>, vector<16xi32>], vector<16xf32>,
        %parallel_loop3A_524 = arith.index_cast %parallel_loop3A_519 : i32 to index
        %parallel_loop3A_525 = arith.constant 16 : index
        %parallel_loop3A_526 = tpu.vector_load %arg7[%parallel_loop3A_524, %parallel_loop3A_525] {strides = array<i32>} : memref<128x64xf32, #tpu.memory_space<vmem>>, vector<16xf32>,
        tpu.vector_store_idx %arg11[%select_n3A_64, %select_n3A_180, %parallel_loop3A_520], %parallel_loop3A_526 : memref<8x8x129xf32, #tpu.memory_space<vmem>>[vector<16xi32>, vector<16xi32>, vector<16xi32>], vector<16xf32>,
        %parallel_loop3A_527 = arith.index_cast %parallel_loop3A_519 : i32 to index
        %parallel_loop3A_528 = arith.constant 32 : index
        %parallel_loop3A_529 = tpu.vector_load %arg7[%parallel_loop3A_527, %parallel_loop3A_528] {strides = array<i32>} : memref<128x64xf32, #tpu.memory_space<vmem>>, vector<16xf32>,
        tpu.vector_store_idx %arg11[%select_n3A_98, %select_n3A_205, %parallel_loop3A_520], %parallel_loop3A_529 : memref<8x8x129xf32, #tpu.memory_space<vmem>>[vector<16xi32>, vector<16xi32>, vector<16xi32>], vector<16xf32>,
        %parallel_loop3A_530 = arith.index_cast %parallel_loop3A_519 : i32 to index
        %parallel_loop3A_531 = arith.constant 48 : index
        %parallel_loop3A_532 = tpu.vector_load %arg7[%parallel_loop3A_530, %parallel_loop3A_531] {strides = array<i32>} : memref<128x64xf32, #tpu.memory_space<vmem>>, vector<16xf32>,
        tpu.vector_store_idx %arg11[%select_n3A_132, %select_n3A_230, %parallel_loop3A_520], %parallel_loop3A_532 : memref<8x8x129xf32, #tpu.memory_space<vmem>>[vector<16xi32>, vector<16xi32>, vector<16xi32>], vector<16xf32>,
      } {sc.loop_unroll_factor = 8 : i64, sc.parallel_access}
      %add3A_426 = arith.constant 1 : i32
      %add3A_427 = arith.addi %mul3A_4, %add3A_426 : i32
      %dma_start3A_428 = arith.constant 1 : i32
      %dma_start3A_429 = arith.constant 0 : i32
      %dma_start3A_430 = arith.constant 0 : i32
      %dma_start3A_431 = arith.constant 0 : i32
      %dma_start3A_432 = tpu.memref_slice %arg11[%dma_start3A_429, %dma_start3A_430, %dma_start3A_431] : memref<8x8x129xf32, #tpu.memory_space<vmem>> -> memref<8x8x128xf32, #tpu.memory_space<vmem>>
      %dma_start3A_433 = arith.constant 0 : i32
      %dma_start3A_434 = arith.constant 0 : i32
      %dma_start3A_435 = arith.constant 0 : i32
      %dma_start3A_436 = tpu.memref_slice %arg4[%scan3A_327, %dma_start3A_433, %add3A_427, %dma_start3A_434, %dma_start3A_435] : memref<50x8x128x8x128xf32, #tpu.memory_space<hbm>> -> memref<1x8x1x8x128xf32, #tpu.memory_space<hbm>>
      %dma_start3A_437 = tpu.memref_squeeze %dma_start3A_436 : memref<1x8x1x8x128xf32, #tpu.memory_space<hbm>> -> memref<8x8x128xf32, #tpu.memory_space<hbm>>
      %dma_start3A_438 = tpu.memref_slice %arg15[%dma_start3A_428] : memref<4x!tpu.dma_semaphore, #tpu.memory_space<semaphore_mem>> -> memref<1x!tpu.dma_semaphore, #tpu.memory_space<semaphore_mem>>
      %dma_start3A_439 = tpu.memref_squeeze %dma_start3A_438 : memref<1x!tpu.dma_semaphore, #tpu.memory_space<semaphore_mem>> -> memref<!tpu.dma_semaphore, #tpu.memory_space<semaphore_mem>>
      %dma_start3A_440 = arith.constant 0 : i32
      %dma_start3A_441 = arith.constant 0 : i32
      %dma_start3A_442 = arith.constant 0 : i32
      %dma_start3A_443 = tpu.memref_slice %arg4[%scan3A_327, %dma_start3A_440, %add3A_427, %dma_start3A_441, %dma_start3A_442] : memref<50x8x128x8x128xf32, #tpu.memory_space<hbm>> -> memref<1x8x1x8x128xf32, #tpu.memory_space<hbm>>
      %dma_start3A_444 = tpu.memref_squeeze %dma_start3A_443 : memref<1x8x1x8x128xf32, #tpu.memory_space<hbm>> -> memref<8x8x128xf32, #tpu.memory_space<hbm>>
      %dma_start3A_445 = arith.constant 0 : i32
      %dma_start3A_446 = arith.constant 0 : i32
      %dma_start3A_447 = arith.constant 0 : i32
      %dma_start3A_448 = tpu.memref_slice %arg11[%dma_start3A_445, %dma_start3A_446, %dma_start3A_447] : memref<8x8x129xf32, #tpu.memory_space<vmem>> -> memref<8x8x128xf32, #tpu.memory_space<vmem>>
      tpu.enqueue_dma source(%dma_start3A_448 : memref<8x8x128xf32, #tpu.memory_space<vmem>>) target(%dma_start3A_444 : memref<8x8x128xf32, #tpu.memory_space<hbm>>) target_semaphore(%dma_start3A_439 : memref<!tpu.dma_semaphore, #tpu.memory_space<semaphore_mem>>)
      %dma_wait3A_449 = arith.constant 2 : i32
      %dma_wait3A_450 = arith.constant 0 : i32
      %dma_wait3A_451 = arith.constant 0 : i32
      %dma_wait3A_452 = tpu.memref_slice %arg3[%dma_wait3A_450, %dma_wait3A_451] : memref<1000000x64xf32, #tpu.memory_space<hbm>> -> memref<128x64xf32, #tpu.memory_space<hbm>>
      %dma_wait3A_453 = tpu.memref_slice %arg14[%dma_wait3A_449] : memref<4x!tpu.dma_semaphore, #tpu.memory_space<semaphore_mem>> -> memref<1x!tpu.dma_semaphore, #tpu.memory_space<semaphore_mem>>
      %dma_wait3A_454 = tpu.memref_squeeze %dma_wait3A_453 : memref<1x!tpu.dma_semaphore, #tpu.memory_space<semaphore_mem>> -> memref<!tpu.dma_semaphore, #tpu.memory_space<semaphore_mem>>
      %dma_wait3A_455 = arith.constant 0 : i32
      %dma_wait3A_456 = arith.constant 0 : i32
      %dma_wait3A_457 = tpu.memref_slice %arg3[%dma_wait3A_455, %dma_wait3A_456] : memref<1000000x64xf32, #tpu.memory_space<hbm>> -> memref<128x64xf32, #tpu.memory_space<hbm>>
      tpu.wait_dma2 semaphore(%dma_wait3A_454 : memref<!tpu.dma_semaphore, #tpu.memory_space<semaphore_mem>>) src(%dma_wait3A_457 : memref<128x64xf32, #tpu.memory_space<hbm>>) dst(%arg8 : memref<128x64xf32, #tpu.memory_space<vmem>>)
      %parallel_loop3A_458 = arith.constant 0 : i32
      %parallel_loop3A_459 = arith.constant 128 : i32
      %parallel_loop3A_460 = arith.constant 1 : i32
      scf.for %parallel_loop3A_519 = %parallel_loop3A_458 to %parallel_loop3A_459 step %parallel_loop3A_460  : i32 {
        %parallel_loop3A_520 = vector.broadcast %parallel_loop3A_519 : i32 to vector<16xi32>
        %parallel_loop3A_521 = arith.index_cast %parallel_loop3A_519 : i32 to index
        %parallel_loop3A_522 = arith.constant 0 : index
        %parallel_loop3A_523 = tpu.vector_load %arg8[%parallel_loop3A_521, %parallel_loop3A_522] {strides = array<i32>} : memref<128x64xf32, #tpu.memory_space<vmem>>, vector<16xf32>,
        tpu.vector_store_idx %arg12[%select_n3A, %select_n3A_155, %parallel_loop3A_520], %parallel_loop3A_523 : memref<8x8x129xf32, #tpu.memory_space<vmem>>[vector<16xi32>, vector<16xi32>, vector<16xi32>], vector<16xf32>,
        %parallel_loop3A_524 = arith.index_cast %parallel_loop3A_519 : i32 to index
        %parallel_loop3A_525 = arith.constant 16 : index
        %parallel_loop3A_526 = tpu.vector_load %arg8[%parallel_loop3A_524, %parallel_loop3A_525] {strides = array<i32>} : memref<128x64xf32, #tpu.memory_space<vmem>>, vector<16xf32>,
        tpu.vector_store_idx %arg12[%select_n3A_64, %select_n3A_180, %parallel_loop3A_520], %parallel_loop3A_526 : memref<8x8x129xf32, #tpu.memory_space<vmem>>[vector<16xi32>, vector<16xi32>, vector<16xi32>], vector<16xf32>,
        %parallel_loop3A_527 = arith.index_cast %parallel_loop3A_519 : i32 to index
        %parallel_loop3A_528 = arith.constant 32 : index
        %parallel_loop3A_529 = tpu.vector_load %arg8[%parallel_loop3A_527, %parallel_loop3A_528] {strides = array<i32>} : memref<128x64xf32, #tpu.memory_space<vmem>>, vector<16xf32>,
        tpu.vector_store_idx %arg12[%select_n3A_98, %select_n3A_205, %parallel_loop3A_520], %parallel_loop3A_529 : memref<8x8x129xf32, #tpu.memory_space<vmem>>[vector<16xi32>, vector<16xi32>, vector<16xi32>], vector<16xf32>,
        %parallel_loop3A_530 = arith.index_cast %parallel_loop3A_519 : i32 to index
        %parallel_loop3A_531 = arith.constant 48 : index
        %parallel_loop3A_532 = tpu.vector_load %arg8[%parallel_loop3A_530, %parallel_loop3A_531] {strides = array<i32>} : memref<128x64xf32, #tpu.memory_space<vmem>>, vector<16xf32>,
        tpu.vector_store_idx %arg12[%select_n3A_132, %select_n3A_230, %parallel_loop3A_520], %parallel_loop3A_532 : memref<8x8x129xf32, #tpu.memory_space<vmem>>[vector<16xi32>, vector<16xi32>, vector<16xi32>], vector<16xf32>,
      } {sc.loop_unroll_factor = 8 : i64, sc.parallel_access}
      %add3A_461 = arith.constant 2 : i32
      %add3A_462 = arith.addi %mul3A_4, %add3A_461 : i32
      %dma_start3A_463 = arith.constant 2 : i32
      %dma_start3A_464 = arith.constant 0 : i32
      %dma_start3A_465 = arith.constant 0 : i32
      %dma_start3A_466 = arith.constant 0 : i32
      %dma_start3A_467 = tpu.memref_slice %arg12[%dma_start3A_464, %dma_start3A_465, %dma_start3A_466] : memref<8x8x129xf32, #tpu.memory_space<vmem>> -> memref<8x8x128xf32, #tpu.memory_space<vmem>>
      %dma_start3A_468 = arith.constant 0 : i32
      %dma_start3A_469 = arith.constant 0 : i32
      %dma_start3A_470 = arith.constant 0 : i32
      %dma_start3A_471 = tpu.memref_slice %arg4[%scan3A_327, %dma_start3A_468, %add3A_462, %dma_start3A_469, %dma_start3A_470] : memref<50x8x128x8x128xf32, #tpu.memory_space<hbm>> -> memref<1x8x1x8x128xf32, #tpu.memory_space<hbm>>
      %dma_start3A_472 = tpu.memref_squeeze %dma_start3A_471 : memref<1x8x1x8x128xf32, #tpu.memory_space<hbm>> -> memref<8x8x128xf32, #tpu.memory_space<hbm>>
      %dma_start3A_473 = tpu.memref_slice %arg15[%dma_start3A_463] : memref<4x!tpu.dma_semaphore, #tpu.memory_space<semaphore_mem>> -> memref<1x!tpu.dma_semaphore, #tpu.memory_space<semaphore_mem>>
      %dma_start3A_474 = tpu.memref_squeeze %dma_start3A_473 : memref<1x!tpu.dma_semaphore, #tpu.memory_space<semaphore_mem>> -> memref<!tpu.dma_semaphore, #tpu.memory_space<semaphore_mem>>
      %dma_start3A_475 = arith.constant 0 : i32
      %dma_start3A_476 = arith.constant 0 : i32
      %dma_start3A_477 = arith.constant 0 : i32
      %dma_start3A_478 = tpu.memref_slice %arg4[%scan3A_327, %dma_start3A_475, %add3A_462, %dma_start3A_476, %dma_start3A_477] : memref<50x8x128x8x128xf32, #tpu.memory_space<hbm>> -> memref<1x8x1x8x128xf32, #tpu.memory_space<hbm>>
      %dma_start3A_479 = tpu.memref_squeeze %dma_start3A_478 : memref<1x8x1x8x128xf32, #tpu.memory_space<hbm>> -> memref<8x8x128xf32, #tpu.memory_space<hbm>>
      %dma_start3A_480 = arith.constant 0 : i32
      %dma_start3A_481 = arith.constant 0 : i32
      %dma_start3A_482 = arith.constant 0 : i32
      %dma_start3A_483 = tpu.memref_slice %arg12[%dma_start3A_480, %dma_start3A_481, %dma_start3A_482] : memref<8x8x129xf32, #tpu.memory_space<vmem>> -> memref<8x8x128xf32, #tpu.memory_space<vmem>>
      tpu.enqueue_dma source(%dma_start3A_483 : memref<8x8x128xf32, #tpu.memory_space<vmem>>) target(%dma_start3A_479 : memref<8x8x128xf32, #tpu.memory_space<hbm>>) target_semaphore(%dma_start3A_474 : memref<!tpu.dma_semaphore, #tpu.memory_space<semaphore_mem>>)
      %dma_wait3A_484 = arith.constant 3 : i32
      %dma_wait3A_485 = arith.constant 0 : i32
      %dma_wait3A_486 = arith.constant 0 : i32
      %dma_wait3A_487 = tpu.memref_slice %arg3[%dma_wait3A_485, %dma_wait3A_486] : memref<1000000x64xf32, #tpu.memory_space<hbm>> -> memref<128x64xf32, #tpu.memory_space<hbm>>
      %dma_wait3A_488 = tpu.memref_slice %arg14[%dma_wait3A_484] : memref<4x!tpu.dma_semaphore, #tpu.memory_space<semaphore_mem>> -> memref<1x!tpu.dma_semaphore, #tpu.memory_space<semaphore_mem>>
      %dma_wait3A_489 = tpu.memref_squeeze %dma_wait3A_488 : memref<1x!tpu.dma_semaphore, #tpu.memory_space<semaphore_mem>> -> memref<!tpu.dma_semaphore, #tpu.memory_space<semaphore_mem>>
      %dma_wait3A_490 = arith.constant 0 : i32
      %dma_wait3A_491 = arith.constant 0 : i32
      %dma_wait3A_492 = tpu.memref_slice %arg3[%dma_wait3A_490, %dma_wait3A_491] : memref<1000000x64xf32, #tpu.memory_space<hbm>> -> memref<128x64xf32, #tpu.memory_space<hbm>>
      tpu.wait_dma2 semaphore(%dma_wait3A_489 : memref<!tpu.dma_semaphore, #tpu.memory_space<semaphore_mem>>) src(%dma_wait3A_492 : memref<128x64xf32, #tpu.memory_space<hbm>>) dst(%arg9 : memref<128x64xf32, #tpu.memory_space<vmem>>)
      %parallel_loop3A_493 = arith.constant 0 : i32
      %parallel_loop3A_494 = arith.constant 128 : i32
      %parallel_loop3A_495 = arith.constant 1 : i32
      scf.for %parallel_loop3A_519 = %parallel_loop3A_493 to %parallel_loop3A_494 step %parallel_loop3A_495  : i32 {
        %parallel_loop3A_520 = vector.broadcast %parallel_loop3A_519 : i32 to vector<16xi32>
        %parallel_loop3A_521 = arith.index_cast %parallel_loop3A_519 : i32 to index
        %parallel_loop3A_522 = arith.constant 0 : index
        %parallel_loop3A_523 = tpu.vector_load %arg9[%parallel_loop3A_521, %parallel_loop3A_522] {strides = array<i32>} : memref<128x64xf32, #tpu.memory_space<vmem>>, vector<16xf32>,
        tpu.vector_store_idx %arg13[%select_n3A, %select_n3A_155, %parallel_loop3A_520], %parallel_loop3A_523 : memref<8x8x129xf32, #tpu.memory_space<vmem>>[vector<16xi32>, vector<16xi32>, vector<16xi32>], vector<16xf32>,
        %parallel_loop3A_524 = arith.index_cast %parallel_loop3A_519 : i32 to index
        %parallel_loop3A_525 = arith.constant 16 : index
        %parallel_loop3A_526 = tpu.vector_load %arg9[%parallel_loop3A_524, %parallel_loop3A_525] {strides = array<i32>} : memref<128x64xf32, #tpu.memory_space<vmem>>, vector<16xf32>,
        tpu.vector_store_idx %arg13[%select_n3A_64, %select_n3A_180, %parallel_loop3A_520], %parallel_loop3A_526 : memref<8x8x129xf32, #tpu.memory_space<vmem>>[vector<16xi32>, vector<16xi32>, vector<16xi32>], vector<16xf32>,
        %parallel_loop3A_527 = arith.index_cast %parallel_loop3A_519 : i32 to index
        %parallel_loop3A_528 = arith.constant 32 : index
        %parallel_loop3A_529 = tpu.vector_load %arg9[%parallel_loop3A_527, %parallel_loop3A_528] {strides = array<i32>} : memref<128x64xf32, #tpu.memory_space<vmem>>, vector<16xf32>,
        tpu.vector_store_idx %arg13[%select_n3A_98, %select_n3A_205, %parallel_loop3A_520], %parallel_loop3A_529 : memref<8x8x129xf32, #tpu.memory_space<vmem>>[vector<16xi32>, vector<16xi32>, vector<16xi32>], vector<16xf32>,
        %parallel_loop3A_530 = arith.index_cast %parallel_loop3A_519 : i32 to index
        %parallel_loop3A_531 = arith.constant 48 : index
        %parallel_loop3A_532 = tpu.vector_load %arg9[%parallel_loop3A_530, %parallel_loop3A_531] {strides = array<i32>} : memref<128x64xf32, #tpu.memory_space<vmem>>, vector<16xf32>,
        tpu.vector_store_idx %arg13[%select_n3A_132, %select_n3A_230, %parallel_loop3A_520], %parallel_loop3A_532 : memref<8x8x129xf32, #tpu.memory_space<vmem>>[vector<16xi32>, vector<16xi32>, vector<16xi32>], vector<16xf32>,
      } {sc.loop_unroll_factor = 8 : i64, sc.parallel_access}
      %add3A_496 = arith.constant 3 : i32
      %add3A_497 = arith.addi %mul3A_4, %add3A_496 : i32
      %dma_start3A_498 = arith.constant 3 : i32
      %dma_start3A_499 = arith.constant 0 : i32
      %dma_start3A_500 = arith.constant 0 : i32
      %dma_start3A_501 = arith.constant 0 : i32
      %dma_start3A_502 = tpu.memref_slice %arg13[%dma_start3A_499, %dma_start3A_500, %dma_start3A_501] : memref<8x8x129xf32, #tpu.memory_space<vmem>> -> memref<8x8x128xf32, #tpu.memory_space<vmem>>
      %dma_start3A_503 = arith.constant 0 : i32
      %dma_start3A_504 = arith.constant 0 : i32
      %dma_start3A_505 = arith.constant 0 : i32
      %dma_start3A_506 = tpu.memref_slice %arg4[%scan3A_327, %dma_start3A_503, %add3A_497, %dma_start3A_504, %dma_start3A_505] : memref<50x8x128x8x128xf32, #tpu.memory_space<hbm>> -> memref<1x8x1x8x128xf32, #tpu.memory_space<hbm>>
      %dma_start3A_507 = tpu.memref_squeeze %dma_start3A_506 : memref<1x8x1x8x128xf32, #tpu.memory_space<hbm>> -> memref<8x8x128xf32, #tpu.memory_space<hbm>>
      %dma_start3A_508 = tpu.memref_slice %arg15[%dma_start3A_498] : memref<4x!tpu.dma_semaphore, #tpu.memory_space<semaphore_mem>> -> memref<1x!tpu.dma_semaphore, #tpu.memory_space<semaphore_mem>>
      %dma_start3A_509 = tpu.memref_squeeze %dma_start3A_508 : memref<1x!tpu.dma_semaphore, #tpu.memory_space<semaphore_mem>> -> memref<!tpu.dma_semaphore, #tpu.memory_space<semaphore_mem>>
      %dma_start3A_510 = arith.constant 0 : i32
      %dma_start3A_511 = arith.constant 0 : i32
      %dma_start3A_512 = arith.constant 0 : i32
      %dma_start3A_513 = tpu.memref_slice %arg4[%scan3A_327, %dma_start3A_510, %add3A_497, %dma_start3A_511, %dma_start3A_512] : memref<50x8x128x8x128xf32, #tpu.memory_space<hbm>> -> memref<1x8x1x8x128xf32, #tpu.memory_space<hbm>>
      %dma_start3A_514 = tpu.memref_squeeze %dma_start3A_513 : memref<1x8x1x8x128xf32, #tpu.memory_space<hbm>> -> memref<8x8x128xf32, #tpu.memory_space<hbm>>
      %dma_start3A_515 = arith.constant 0 : i32
      %dma_start3A_516 = arith.constant 0 : i32
      %dma_start3A_517 = arith.constant 0 : i32
      %dma_start3A_518 = tpu.memref_slice %arg13[%dma_start3A_515, %dma_start3A_516, %dma_start3A_517] : memref<8x8x129xf32, #tpu.memory_space<vmem>> -> memref<8x8x128xf32, #tpu.memory_space<vmem>>
      tpu.enqueue_dma source(%dma_start3A_518 : memref<8x8x128xf32, #tpu.memory_space<vmem>>) target(%dma_start3A_514 : memref<8x8x128xf32, #tpu.memory_space<hbm>>) target_semaphore(%dma_start3A_509 : memref<!tpu.dma_semaphore, #tpu.memory_space<semaphore_mem>>)
    }
    %scan3A_235 = arith.constant 50 : i32
    %dma_wait3A = arith.constant 0 : i32
    %dma_wait3A_236 = arith.constant 0 : i32
    %dma_wait3A_237 = arith.constant 0 : i32
    %dma_wait3A_238 = arith.constant 0 : i32
    %dma_wait3A_239 = arith.constant 0 : i32
    %dma_wait3A_240 = arith.constant 0 : i32
    %dma_wait3A_241 = tpu.memref_slice %arg10[%dma_wait3A_238, %dma_wait3A_239, %dma_wait3A_240] : memref<8x8x129xf32, #tpu.memory_space<vmem>> -> memref<8x8x128xf32, #tpu.memory_space<vmem>>
    %dma_wait3A_242 = arith.constant 0 : i32
    %dma_wait3A_243 = arith.constant 0 : i32
    %dma_wait3A_244 = arith.constant 0 : i32
    %dma_wait3A_245 = tpu.memref_slice %arg4[%dma_wait3A, %dma_wait3A_242, %dma_wait3A_236, %dma_wait3A_243, %dma_wait3A_244] : memref<50x8x128x8x128xf32, #tpu.memory_space<hbm>> -> memref<1x8x1x8x128xf32, #tpu.memory_space<hbm>>
    %dma_wait3A_246 = tpu.memref_squeeze %dma_wait3A_245 : memref<1x8x1x8x128xf32, #tpu.memory_space<hbm>> -> memref<8x8x128xf32, #tpu.memory_space<hbm>>
    %dma_wait3A_247 = tpu.memref_slice %arg15[%dma_wait3A_237] : memref<4x!tpu.dma_semaphore, #tpu.memory_space<semaphore_mem>> -> memref<1x!tpu.dma_semaphore, #tpu.memory_space<semaphore_mem>>
    %dma_wait3A_248 = tpu.memref_squeeze %dma_wait3A_247 : memref<1x!tpu.dma_semaphore, #tpu.memory_space<semaphore_mem>> -> memref<!tpu.dma_semaphore, #tpu.memory_space<semaphore_mem>>
    %dma_wait3A_249 = arith.constant 0 : i32
    %dma_wait3A_250 = arith.constant 0 : i32
    %dma_wait3A_251 = arith.constant 0 : i32
    %dma_wait3A_252 = tpu.memref_slice %arg4[%dma_wait3A, %dma_wait3A_249, %dma_wait3A_236, %dma_wait3A_250, %dma_wait3A_251] : memref<50x8x128x8x128xf32, #tpu.memory_space<hbm>> -> memref<1x8x1x8x128xf32, #tpu.memory_space<hbm>>
    %dma_wait3A_253 = tpu.memref_squeeze %dma_wait3A_252 : memref<1x8x1x8x128xf32, #tpu.memory_space<hbm>> -> memref<8x8x128xf32, #tpu.memory_space<hbm>>
    %dma_wait3A_254 = arith.constant 0 : i32
    %dma_wait3A_255 = arith.constant 0 : i32
    %dma_wait3A_256 = arith.constant 0 : i32
    %dma_wait3A_257 = tpu.memref_slice %arg10[%dma_wait3A_254, %dma_wait3A_255, %dma_wait3A_256] : memref<8x8x129xf32, #tpu.memory_space<vmem>> -> memref<8x8x128xf32, #tpu.memory_space<vmem>>
    tpu.wait_dma2 semaphore(%dma_wait3A_248 : memref<!tpu.dma_semaphore, #tpu.memory_space<semaphore_mem>>) src(%dma_wait3A_257 : memref<8x8x128xf32, #tpu.memory_space<vmem>>) dst(%dma_wait3A_253 : memref<8x8x128xf32, #tpu.memory_space<hbm>>)
    %dma_wait3A_258 = arith.constant 0 : i32
    %dma_wait3A_259 = arith.constant 0 : i32
    %dma_wait3A_260 = arith.constant 1 : i32
    %dma_wait3A_261 = arith.constant 0 : i32
    %dma_wait3A_262 = arith.constant 0 : i32
    %dma_wait3A_263 = arith.constant 0 : i32
    %dma_wait3A_264 = tpu.memref_slice %arg11[%dma_wait3A_261, %dma_wait3A_262, %dma_wait3A_263] : memref<8x8x129xf32, #tpu.memory_space<vmem>> -> memref<8x8x128xf32, #tpu.memory_space<vmem>>
    %dma_wait3A_265 = arith.constant 0 : i32
    %dma_wait3A_266 = arith.constant 0 : i32
    %dma_wait3A_267 = arith.constant 0 : i32
    %dma_wait3A_268 = tpu.memref_slice %arg4[%dma_wait3A_258, %dma_wait3A_265, %dma_wait3A_259, %dma_wait3A_266, %dma_wait3A_267] : memref<50x8x128x8x128xf32, #tpu.memory_space<hbm>> -> memref<1x8x1x8x128xf32, #tpu.memory_space<hbm>>
    %dma_wait3A_269 = tpu.memref_squeeze %dma_wait3A_268 : memref<1x8x1x8x128xf32, #tpu.memory_space<hbm>> -> memref<8x8x128xf32, #tpu.memory_space<hbm>>
    %dma_wait3A_270 = tpu.memref_slice %arg15[%dma_wait3A_260] : memref<4x!tpu.dma_semaphore, #tpu.memory_space<semaphore_mem>> -> memref<1x!tpu.dma_semaphore, #tpu.memory_space<semaphore_mem>>
    %dma_wait3A_271 = tpu.memref_squeeze %dma_wait3A_270 : memref<1x!tpu.dma_semaphore, #tpu.memory_space<semaphore_mem>> -> memref<!tpu.dma_semaphore, #tpu.memory_space<semaphore_mem>>
    %dma_wait3A_272 = arith.constant 0 : i32
    %dma_wait3A_273 = arith.constant 0 : i32
    %dma_wait3A_274 = arith.constant 0 : i32
    %dma_wait3A_275 = tpu.memref_slice %arg4[%dma_wait3A_258, %dma_wait3A_272, %dma_wait3A_259, %dma_wait3A_273, %dma_wait3A_274] : memref<50x8x128x8x128xf32, #tpu.memory_space<hbm>> -> memref<1x8x1x8x128xf32, #tpu.memory_space<hbm>>
    %dma_wait3A_276 = tpu.memref_squeeze %dma_wait3A_275 : memref<1x8x1x8x128xf32, #tpu.memory_space<hbm>> -> memref<8x8x128xf32, #tpu.memory_space<hbm>>
    %dma_wait3A_277 = arith.constant 0 : i32
    %dma_wait3A_278 = arith.constant 0 : i32
    %dma_wait3A_279 = arith.constant 0 : i32
    %dma_wait3A_280 = tpu.memref_slice %arg11[%dma_wait3A_277, %dma_wait3A_278, %dma_wait3A_279] : memref<8x8x129xf32, #tpu.memory_space<vmem>> -> memref<8x8x128xf32, #tpu.memory_space<vmem>>
    tpu.wait_dma2 semaphore(%dma_wait3A_271 : memref<!tpu.dma_semaphore, #tpu.memory_space<semaphore_mem>>) src(%dma_wait3A_280 : memref<8x8x128xf32, #tpu.memory_space<vmem>>) dst(%dma_wait3A_276 : memref<8x8x128xf32, #tpu.memory_space<hbm>>)
    %dma_wait3A_281 = arith.constant 0 : i32
    %dma_wait3A_282 = arith.constant 0 : i32
    %dma_wait3A_283 = arith.constant 2 : i32
    %dma_wait3A_284 = arith.constant 0 : i32
    %dma_wait3A_285 = arith.constant 0 : i32
    %dma_wait3A_286 = arith.constant 0 : i32
    %dma_wait3A_287 = tpu.memref_slice %arg12[%dma_wait3A_284, %dma_wait3A_285, %dma_wait3A_286] : memref<8x8x129xf32, #tpu.memory_space<vmem>> -> memref<8x8x128xf32, #tpu.memory_space<vmem>>
    %dma_wait3A_288 = arith.constant 0 : i32
    %dma_wait3A_289 = arith.constant 0 : i32
    %dma_wait3A_290 = arith.constant 0 : i32
    %dma_wait3A_291 = tpu.memref_slice %arg4[%dma_wait3A_281, %dma_wait3A_288, %dma_wait3A_282, %dma_wait3A_289, %dma_wait3A_290] : memref<50x8x128x8x128xf32, #tpu.memory_space<hbm>> -> memref<1x8x1x8x128xf32, #tpu.memory_space<hbm>>
    %dma_wait3A_292 = tpu.memref_squeeze %dma_wait3A_291 : memref<1x8x1x8x128xf32, #tpu.memory_space<hbm>> -> memref<8x8x128xf32, #tpu.memory_space<hbm>>
    %dma_wait3A_293 = tpu.memref_slice %arg15[%dma_wait3A_283] : memref<4x!tpu.dma_semaphore, #tpu.memory_space<semaphore_mem>> -> memref<1x!tpu.dma_semaphore, #tpu.memory_space<semaphore_mem>>
    %dma_wait3A_294 = tpu.memref_squeeze %dma_wait3A_293 : memref<1x!tpu.dma_semaphore, #tpu.memory_space<semaphore_mem>> -> memref<!tpu.dma_semaphore, #tpu.memory_space<semaphore_mem>>
    %dma_wait3A_295 = arith.constant 0 : i32
    %dma_wait3A_296 = arith.constant 0 : i32
    %dma_wait3A_297 = arith.constant 0 : i32
    %dma_wait3A_298 = tpu.memref_slice %arg4[%dma_wait3A_281, %dma_wait3A_295, %dma_wait3A_282, %dma_wait3A_296, %dma_wait3A_297] : memref<50x8x128x8x128xf32, #tpu.memory_space<hbm>> -> memref<1x8x1x8x128xf32, #tpu.memory_space<hbm>>
    %dma_wait3A_299 = tpu.memref_squeeze %dma_wait3A_298 : memref<1x8x1x8x128xf32, #tpu.memory_space<hbm>> -> memref<8x8x128xf32, #tpu.memory_space<hbm>>
    %dma_wait3A_300 = arith.constant 0 : i32
    %dma_wait3A_301 = arith.constant 0 : i32
    %dma_wait3A_302 = arith.constant 0 : i32
    %dma_wait3A_303 = tpu.memref_slice %arg12[%dma_wait3A_300, %dma_wait3A_301, %dma_wait3A_302] : memref<8x8x129xf32, #tpu.memory_space<vmem>> -> memref<8x8x128xf32, #tpu.memory_space<vmem>>
    tpu.wait_dma2 semaphore(%dma_wait3A_294 : memref<!tpu.dma_semaphore, #tpu.memory_space<semaphore_mem>>) src(%dma_wait3A_303 : memref<8x8x128xf32, #tpu.memory_space<vmem>>) dst(%dma_wait3A_299 : memref<8x8x128xf32, #tpu.memory_space<hbm>>)
    %dma_wait3A_304 = arith.constant 0 : i32
    %dma_wait3A_305 = arith.constant 0 : i32
    %dma_wait3A_306 = arith.constant 3 : i32
    %dma_wait3A_307 = arith.constant 0 : i32
    %dma_wait3A_308 = arith.constant 0 : i32
    %dma_wait3A_309 = arith.constant 0 : i32
    %dma_wait3A_310 = tpu.memref_slice %arg13[%dma_wait3A_307, %dma_wait3A_308, %dma_wait3A_309] : memref<8x8x129xf32, #tpu.memory_space<vmem>> -> memref<8x8x128xf32, #tpu.memory_space<vmem>>
    %dma_wait3A_311 = arith.constant 0 : i32
    %dma_wait3A_312 = arith.constant 0 : i32
    %dma_wait3A_313 = arith.constant 0 : i32
    %dma_wait3A_314 = tpu.memref_slice %arg4[%dma_wait3A_304, %dma_wait3A_311, %dma_wait3A_305, %dma_wait3A_312, %dma_wait3A_313] : memref<50x8x128x8x128xf32, #tpu.memory_space<hbm>> -> memref<1x8x1x8x128xf32, #tpu.memory_space<hbm>>
    %dma_wait3A_315 = tpu.memref_squeeze %dma_wait3A_314 : memref<1x8x1x8x128xf32, #tpu.memory_space<hbm>> -> memref<8x8x128xf32, #tpu.memory_space<hbm>>
    %dma_wait3A_316 = tpu.memref_slice %arg15[%dma_wait3A_306] : memref<4x!tpu.dma_semaphore, #tpu.memory_space<semaphore_mem>> -> memref<1x!tpu.dma_semaphore, #tpu.memory_space<semaphore_mem>>
    %dma_wait3A_317 = tpu.memref_squeeze %dma_wait3A_316 : memref<1x!tpu.dma_semaphore, #tpu.memory_space<semaphore_mem>> -> memref<!tpu.dma_semaphore, #tpu.memory_space<semaphore_mem>>
    %dma_wait3A_318 = arith.constant 0 : i32
    %dma_wait3A_319 = arith.constant 0 : i32
    %dma_wait3A_320 = arith.constant 0 : i32
    %dma_wait3A_321 = tpu.memref_slice %arg4[%dma_wait3A_304, %dma_wait3A_318, %dma_wait3A_305, %dma_wait3A_319, %dma_wait3A_320] : memref<50x8x128x8x128xf32, #tpu.memory_space<hbm>> -> memref<1x8x1x8x128xf32, #tpu.memory_space<hbm>>
    %dma_wait3A_322 = tpu.memref_squeeze %dma_wait3A_321 : memref<1x8x1x8x128xf32, #tpu.memory_space<hbm>> -> memref<8x8x128xf32, #tpu.memory_space<hbm>>
    %dma_wait3A_323 = arith.constant 0 : i32
    %dma_wait3A_324 = arith.constant 0 : i32
    %dma_wait3A_325 = arith.constant 0 : i32
    %dma_wait3A_326 = tpu.memref_slice %arg13[%dma_wait3A_323, %dma_wait3A_324, %dma_wait3A_325] : memref<8x8x129xf32, #tpu.memory_space<vmem>> -> memref<8x8x128xf32, #tpu.memory_space<vmem>>
    tpu.wait_dma2 semaphore(%dma_wait3A_317 : memref<!tpu.dma_semaphore, #tpu.memory_space<semaphore_mem>>) src(%dma_wait3A_326 : memref<8x8x128xf32, #tpu.memory_space<vmem>>) dst(%dma_wait3A_322 : memref<8x8x128xf32, #tpu.memory_space<hbm>>)
    return
  }
}

</mosaic_0001>

<sc_bundles>
// kernel: kernel.3.cloned.1.call-start
scs
__scs_entry_jumppad:
0x0: {  	(pc) =	sbr.rel $0x88, $3  }
0x1: {  	(tag) =	ssettag $0x0;
	lr =	simm.s32 $0x1  }
0x2: {  	[smem:$0x3F9F] =	sst lr;
	_ =	strace $0xD0000000  }
0x3: {  	_ = 	snop  }
0x4: {  	_ = 	snop  }
0x5: {  	_ = 	snop  }
0x6: {  	_ = 	snop  }
0x7: {  	_ = 	snop  }
__scs_overlays_trampoline_lowered:
0x8: {  	[smem:$0x3FAE] =	sst s0  }
0x9: {  	[smem:$0x3FAF] =	sst s1  }
0xa: {  	[smem:$0x3FB0] =	sst s2  }
0xb: {  	[smem:$0x3FB1] =	sst s3  }
0xc: {  	[smem:$0x3FB2] =	sst s4  }
0xd: {  	[smem:$0x3FB3] =	sst s5  }
0xe: {  	[smem:$0x3FB4] =	sst s6  }
0xf: {  	[smem:$0x3FB5] =	sst s7  }
0x10: {  	[smem:$0x3FB6] =	sst s8  }
0x11: {  	[smem:$0x3FB7] =	sst s9;
	s0 =	simm.s32 @!p0 $0x0  }
0x12: {  	s1 =	sld [smem:$0x3F9D];
	s0 =	simm.s32 @p0 $0x1  }
0x13: {  	[smem:$0x3FB8] =	sst s0;
	s0 =	simm.s32 @!p1 $0x0  }
0x14: {  	s2 =	sld [smem:$0x3F9C];
	s0 =	simm.s32 @p1 $0x1  }
0x15: {  	[smem:$0x3FB9] =	sst s0;
	s0 =	simm.s32 @!p2 $0x0  }
0x16: {  	s3 =	sld [smem:$0x3FDB];
	s0 =	simm.s32 @p2 $0x1  }
0x17: {  	s4 =	simm.s32 $0x1BF5;
	[smem:$0x3FBB] =	sst s0  }
0x18: {  	s0 =	sld [smem:$0x3F9E];
	_ =	swait.ge [sflag:s4], $0x0  }
0x19: {  	s7 =	sld [smem:$0x3F9F]  }
0x1a: {  	s8 =	sadd.s32 $0xFFFFE003, lr  }
0x1b: {  	s9 =	sadd.s32 $0xFFFFFEF7, lr;
	s5 =	simm.s32 $0xFFFFFFFF;
	p2 =	slt.u32 s8, $0xFFFFF086  }
0x1c: {  	p1 =	slt.u32 s9, $0xF7A;
	s5 =	simm.s32 @!p2 $0x0  }
0x1d: {  	s5 =	simm.s32 @p1 $0x1;
	p0 =	seq.s32 s7, s2  }
0x1e: {  	s7 =	smul.u32 @!p0 $0xF7A, s2;
	p2 =	seq.s32 @!p0 s5, $0x0  }
0x1f: {  	s9 =	smul.u32 $0xF7A, s1;
	s8 =	simm.s32 @!p0 $0x1BF5;
	p2 =	por !p2, p0  }
0x20: {  	[sflag:s8] =	ssyncset.s32 @!p0 $0xFFFFF086;
	s6 =	sadd.s32 @!p0 s3, s7;
	s7 =	simm.s32 @!p0 $0x108  }
0x21: {  	s3 =	sadd.s32 s3, s9;
	s6 =	sadd.s32 @!p0 $0x88, s6;
	s7 =	simm.s32 @p2 $0x1082  }
0x22: {  	[simem:s7], [sflag:s8] =	dma.local @!p0 [hbm:s6], $0xF7A  }
0x23: {  	s9 =	sor.u32 $0xD0000000, s2;
	s6 =	simm.s32 $0x108;
	_ =	swait.ge @!p0 [sflag:s8], $0x0  }
0x24: {  	s3 =	sadd.s32 $0x88, s3;
	s6 =	simm.s32 @!p1 $0x1082;
	[sflag:s4] =	ssyncset.s32 $0xFFFFF086  }
0x25: {  	[simem:s6], [sflag:s4] =	dma.local [hbm:s3], $0xF7A  }
0x26: {  	[smem:$0x3F9F] =	sst s1;
	(tag) =	ssettag s2;
	_ =	strace s9  }
0x27: {  	s1 =	sld [smem:$0x3FAF]  }
0x28: {  	s2 =	sld [smem:$0x3FB0]  }
0x29: {  	s4 =	sld [smem:$0x3FB2]  }
0x2a: {  	p0 =	seq.s32 s5, $0x0;
	s5 =	sld [smem:$0x3FB3]  }
0x2b: {  	s6 =	sld [smem:$0x3FB4]  }
0x2c: {  	s7 =	sld [smem:$0x3FB5]  }
0x2d: {  	s3 =	simm.s32 $0x108;
	s8 =	sld [smem:$0x3FB6]  }
0x2e: {  	s3 =	simm.s32 @!p0 $0x1082;
	s9 =	sld [smem:$0x3FB7]  }
0x2f: {  	lr =	sadd.s32 s0, s3;
	s0 =	sld [smem:$0x3FAE]  }
0x30: {  	s3 =	sld [smem:$0x3FB1]  }
0x31: {  	[smem:$0x3FBA] =	sst s10  }
0x32: {  	s10 =	sld [smem:$0x3FB8];
	_ =	sdelay $0x3  }
0x33: {  	p0 =	seq.s32 s10, $0x1;
	s10 =	sld [smem:$0x3FBA];
	_ =	sdelay $0x3  }
0x34: {  	[smem:$0x3FBA] =	sst s10  }
0x35: {  	s10 =	sld [smem:$0x3FB9];
	_ =	sdelay $0x3  }
0x36: {  	p1 =	seq.s32 s10, $0x1;
	s10 =	sld [smem:$0x3FBA];
	_ =	sdelay $0x3  }
0x37: {  	[smem:$0x3FBA] =	sst s10  }
0x38: {  	s10 =	sld [smem:$0x3FBB]  }
0x39: {  	_ = 	snop;
	(pc) =	sbr.ind lr, $3  }
0x3a: {  	_ = 	snop  }
0x3b: {  	_ = 	snop  }
0x3c: {  	p2 =	seq.s32 s10, $0x1;
	s10 =	sld [smem:$0x3FBA]  }
0x3d: {  	_ =	shalt  }
0x3e: {  	_ =	shalt  }
0x3f: {  	_ =	shalt  }
0x40: {  	_ =	shalt  }
0x41: {  	_ =	shalt  }
0x42: {  	_ =	shalt  }
0x43: {  	_ =	shalt  }
0x44: {  	_ =	shalt  }
0x45: {  	_ =	shalt  }
0x46: {  	_ =	shalt  }
0x47: {  	_ =	shalt  }
0x48: {  	_ =	shalt  }
0x49: {  	_ =	shalt  }
0x4a: {  	_ =	shalt  }
0x4b: {  	_ =	shalt  }
0x4c: {  	_ =	shalt  }
0x4d: {  	_ =	shalt  }
0x4e: {  	_ =	shalt  }
0x4f: {  	_ =	shalt  }
0x50: {  	_ =	shalt  }
0x51: {  	_ =	shalt  }
0x52: {  	_ =	shalt  }
0x53: {  	_ =	shalt  }
0x54: {  	_ =	shalt  }
0x55: {  	_ =	shalt  }
0x56: {  	_ =	shalt  }
0x57: {  	_ =	shalt  }
0x58: {  	_ =	shalt  }
0x59: {  	_ =	shalt  }
0x5a: {  	_ =	shalt  }
0x5b: {  	_ =	shalt  }
0x5c: {  	_ =	shalt  }
0x5d: {  	_ =	shalt  }
0x5e: {  	_ =	shalt  }
0x5f: {  	_ =	shalt  }
0x60: {  	_ =	shalt  }
0x61: {  	_ =	shalt  }
0x62: {  	_ =	shalt  }
0x63: {  	_ =	shalt  }
0x64: {  	_ =	shalt  }
0x65: {  	_ =	shalt  }
0x66: {  	_ =	shalt  }
0x67: {  	_ =	shalt  }
0x68: {  	_ =	shalt  }
0x69: {  	_ =	shalt  }
0x6a: {  	_ =	shalt  }
0x6b: {  	_ =	shalt  }
0x6c: {  	_ =	shalt  }
0x6d: {  	_ =	shalt  }
0x6e: {  	_ =	shalt  }
0x6f: {  	_ =	shalt  }
0x70: {  	_ =	shalt  }
0x71: {  	_ =	shalt  }
0x72: {  	_ =	shalt  }
0x73: {  	_ =	shalt  }
0x74: {  	_ =	shalt  }
0x75: {  	_ =	shalt  }
0x76: {  	_ =	shalt  }
0x77: {  	_ =	shalt  }
0x78: {  	_ =	shalt  }
0x79: {  	_ =	shalt  }
0x7a: {  	_ =	shalt  }
0x7b: {  	_ =	shalt  }
0x7c: {  	_ =	shalt  }
0x7d: {  	_ =	shalt  }
0x7e: {  	_ =	shalt  }
0x7f: {  	_ =	shalt  }
0x80: {  	_ =	shalt  }
0x81: {  	_ =	shalt  }
0x82: {  	_ =	shalt  }
0x83: {  	_ =	shalt  }
0x84: {  	_ =	shalt  }
0x85: {  	_ =	shalt  }
0x86: {  	_ =	shalt  }
0x87: {  	_ =	shalt  }
.Lfunc_end0:
.L_simem_size_0:
called_computation_lowered:
.L_overlay_start_0:
0x88: {  	s2 =	sld [smem:$0x3FD9]  }
0x89: {  	s3 =	sld [smem:$0x3FFE];
	_ =	sdelay $0x1  }
0x8a: {  	s1 =	srdreg.scid  }
0x8b: {  	s0 =	sand.u32 $0x1, s1  }
0x8c: {  	s17 =	sshll.u32 s0, $0xA;
	s2 =	sadd.s32 s3, s2  }
0x8d: {  	s2 =	sadd.s32 s2, s17  }
0x8e: {  	[smem:$0x3FC6] =	sst s2  }
0x8f: {  	_ = 	snop  }
0x90: {  	s2 =	sld [smem:$0x3FD0];
	(tm) =	ssettm $0x1  }
0x91: {  	s18 =	sld [smem:$0x3FFB];
	_ =	sdelay $0x3  }
0x92: {  	_ =	strace s18  }
0x93: {  	s3 =	sld [smem:$0x3FFC];
	_ =	sdelay $0x3  }
0x94: {  	_ =	strace s3  }
0x95: {  	s3 =	sld [smem:$0x3FFD];
	_ =	sdelay $0x3  }
0x96: {  	_ =	strace s3  }
0x97: {  	_ =	strace $0x8FFFFFFF  }
0x98: {  	s19 =	sld [smem:$0x3FDB];
	_ =	sdelay $0x1  }
0x99: {  	s4 =	simm.s32 $_scs_section_size  }
0x9a: {  	s5 =	simm.s32 $_size__tile_overlayer_lowered;
	s6 =	simm.s32 $_tile_overlayer_lowered  }
0x9b: {  	s22 =	simm.s32 $0x1BFF;
	s21 =	sshll.u32 s6, $0x1;
	s3 =	sadd.s32 s4, s19  }
0x9c: {  	s7 =	simm.s32 $0x0;
	s20 =	sshll.u32 s5, $0x1;
	s5 =	sadd.s32 s21, s3  }
0x9d: {  	[timem:s7], [sflag:s22] =	dma.local [hbm:s5], s20  }
0x9e: {  	_ =	swait.ge [sflag:s22], s20  }
0x9f: {  	s4 =	ssub.s32 $0x0, s20;
	[sflag:s22] =	ssyncset.done $0x0  }
0xa0: {  	[sflag:s22] =	ssyncadd.s32 s4;
	_ =	sdelay $0x1  }
0xa1: {  	s23 =	simm.s32 $0x1B8B  }
0xa2: {  	_ =	swait.ge [sflag:s23], $0x1  }
0xa3: {  	[sflag:s23] =	ssyncset.done $0x0  }
0xa4: {  	s25 =	simm.s32 $0x1B8E;
	s24 =	sld [smem:$0x3FFE];
	[sflag:s23] =	ssyncadd.s32 $0xFFFFFFFF  }
0xa5: {  	s26 =	simm.s32 $execute0_lowered;
	[smem:$0x3FD2] =	sst s25  }
0xa6: {  	s5 =	sshll.u32 s26, $0x1;
	_ =	strace $0x80000046;
	[dreg:$0x1] =	wrdreg $0xFFFFFFFF  }
0xa7: {  	s28 =	simm.s32 $_size_execute0_lowered;
	s3 =	sadd.s32 s3, s5;
	[dreg:$0x0] =	wrdreg $0x0  }
0xa8: {  	s5 =	sshll.u32 s28, $0x1;
	[dreg:$0x2] =	wrdreg s3  }
0xa9: {  	[dreg:$0x3] =	wrdreg s5  }
0xaa: {  	[dreg:$0x4] =	wrdreg $0xC0  }
0xab: {  	_ =	task [dreg:s7], $0x5FFFF  }
0xac: {  	[dreg:$0x1] =	wrdreg $0xFFFFFFFF  }
0xad: {  	[dreg:$0x0] =	wrdreg $0x60  }
0xae: {  	[dreg:$0x2] =	wrdreg s24  }
0xaf: {  	[dreg:$0x3] =	wrdreg s2  }
0xb0: {  	[dreg:$0x4] =	wrdreg $0x9  }
0xb1: {  	_ =	task.clear_ibuf [dreg:s7], $0x5FFFF;
	_ =	strace $0x90000046  }
0xb2: {  	s29 =	simm.s32 $0x9;
	_ =	strace $0x80000048  }
0xb3: {  	_ =	swait.ge [sflag:s29], $0x1  }
0xb4: {  	[sflag:s29] =	ssyncadd.s32 $0xFFFFFFFF  }
0xb5: {  	_ =	strace $0x90000048  }
0xb6: {  	_ =	sfence  }
0xb7: {  	s30 =	sld [smem:$0x0];
	_ =	sdelay $0x2  }
0xb8: {  	s31 =	sshll.u32 s1, $0xD;
	s1 =	sshrl.u32 s1, $0x2  }
0xb9: {  	s3 =	sand.u32 $0x4000, s31;
	s1 =	sadd.s32 s1, s30  }
0xba: {  	s0 =	sor.u32 s3, s0;
	s1 =	sshll.u32 s1, $0x11  }
0xbb: {  	s0 =	sor.u32 s1, s0  }
0xbc: {  	s0 =	sadd.s32 $0x8F2B, s0  }
0xbd: {  	[sflag:s0] =	ssyncadd.remote.s32 $0x1  }
0xbe: {  	_ =	sfence.sel $0xFFFF  }
0xbf: {  	[dreg:$0x0] =	wrdreg $0xFFFFFFFF;
	(pc) =	sbr.abs _section_cstart, $3  }
0xc0: {  	[dreg:$0x1] =	wrdreg $0xFFFFFFFF  }
0xc1: {  	_ =	task.clear_ibuf [dreg:s7], $0x2FFFF;
	_ =	strace $0x9FFFFFFF  }
0xc2: {  	(tm) =	ssettm $0x7FFFFFFF  }
0xc3: {  	_ =	shalt  }
tec
execute0_lowered:
.L_overlay_start_1:
0x0: {  	(tag) =	ssettag $0x1  }
0x1: {  	v0 =	vlaneseq.u32  }
0x2: {  	s0 =	rddreg [dreg:$0x0];
	v0 =	vmul.u32 $0x88, v0  }
0x3: {  	s1 =	rddreg [dreg:$0x1];
	s2 =	srdreg.scid;
	v1 =	vimm.s32 $0x0;
	vm0 =	vcmask $0x300  }
0x4: {  	s4 =	stileid.u32;
	s3 =	simm.s32 $0x0;
	s9 =	simm.s32 $0x4000;
	v1 =	vsel vm0, $0x3, v1;
	v2 =	vadd.s32 $0x880, v0  }
0x5: {  	s10 =	simm.s32 $0x9;
	s11 =	simm.s32 $0x80;
	s12 =	simm.s32 $0xC400;
	v3 =	vadd.s32 $0x1100, v0;
	v4 =	vadd.s32 $0x1980, v0;
	v5 =	vor.u32 $0x1, v0  }
0x6: {  	s13 =	simm.s32 $0x1;
	s14 =	simm.s32 $0xE400;
	s15 =	simm.s32 $0x2;
	v6 =	vadd.s32 $0x881, v0;
	v7 =	vadd.s32 $0x1101, v0;
	v8 =	vadd.s32 $0x1981, v0  }
0x7: {  	s16 =	simm.s32 $0x10600;
	s17 =	simm.s32 $0x3;
	s18 =	simm.s32 $0x12800;
	v9 =	vor.u32 $0x2, v0;
	v10 =	vadd.s32 $0x882, v0;
	v11 =	vadd.s32 $0x1102, v0  }
0x8: {  	s19 =	simm.s32 $0x4;
	s20 =	simm.s32 $0x14A00;
	s21 =	simm.s32 $0x5;
	v12 =	vadd.s32 $0x1982, v0;
	v13 =	vor.u32 $0x3, v0;
	v14 =	vadd.s32 $0x883, v0  }
0x9: {  	s22 =	simm.s32 $0x6;
	s23 =	simm.s32 $0x7;
	s24 =	simm.s32 $0x8;
	v15 =	vadd.s32 $0x1103, v0;
	v16 =	vadd.s32 $0x1983, v0;
	v17 =	vor.u32 $0x4, v0  }
0xa: {  	s25 =	simm.s32 $0x0;
	s2 =	sand.u32 $0x1, s2;
	s4 =	sshll.u32 s4, $0x1;
	v18 =	vadd.s32 $0x884, v0;
	v19 =	vadd.s32 $0x1104, v0;
	v20 =	vadd.s32 $0x1984, v0  }
0xb: {  	[smem:$0x7FF] =	sst s3;
	s5 =	sor.u32 s2, s4;
	s2 =	ssub.s32 $0x2, s2;
	v21 =	vor.u32 $0x5, v0;
	v22 =	vadd.s32 $0x885, v0;
	v23 =	vadd.s32 $0x1105, v0  }
0xc: {  	_ =	strace $0x80000047;
	s4 =	sshll.u32 s5, $0x6;
	s6 =	sshrl.u32 s2, $0x1;
	v24 =	vadd.s32 $0x1985, v0;
	v25 =	vor.u32 $0x6, v0;
	v26 =	vadd.s32 $0x886, v0  }
0xd: {  	s5 =	sshll.u32 s5, $0xC;
	v27 =	vadd.s32 $0x1106, v0;
	v28 =	vadd.s32 $0x1986, v0;
	v29 =	vor.u32 $0x7, v0;
	s7 =	sadd.s32 s4, s0;
	s31 =	ssub.s32 s2, s6  }
0xe: {  	v30 =	vadd.s32 $0x887, v0;
	v31 =	vadd.s32 $0x1107, v0;
	v32 =	vadd.s32 $0x1987, v0;
	s4 =	sadd.s32 $0xF42A00, s0;
	s6 =	sadd.s32 $0x600, s7;
	s7 =	smax.u32 s31, $0x1  }
.LBB2_1:
0xf: {  	s0 =	simm.s32 $0x200  }
0x10: {  	[tilespmem:s3], [sflag:$0x9] =	stream.strided.gather [hbm4b:s6+s0], $0x6400, s9, s0, $0x38;
	[tilespmem:$0x16C00] =	vst v63  }
0x11: {  	_ =	swait.ge [sflag:s10], $0x6400  }
0x12: {  	[sflag:s10] =	ssyncset.done $0x0  }
0x13: {  	s26 =	simm.s32 $0x0;
	[sflag:s10] =	ssyncadd.s32 $0xFFFF9C00  }
.LBB2_2:
0x14: {  	p0 =	sne.s32 s26, $0x0  }
0x15: {  	s0 =	simm.s32 @p0 $0x5  }
0x16: {  	_ =	swait.ge @p0 [sflag:s0], $0x2000  }
0x17: {  	[sflag:s0] =	ssyncset.done @p0 $0x0  }
0x18: {  	[sflag:s0] =	ssyncadd.s32 @p0 $0xFFFFE000;
	s0 =	sshll.u32 @p0 s26, $0x9  }
0x19: {  	s2 =	simm.s32 @p0 $0x80;
	s28 =	simm.s32 @p0 $0x6400;
	s0 =	sand.u32 @p0 $0x3FFFFE00, s0  }
0x1a: {  	[tilespmem:s28], [sflag:$0x1] =	stream.indirect.gather @p0 [hbm4b:s4+s2], $0x40, s0, s2, $0xb8;
	[tilespmem:$0x16C00] =	vst v63  }
0x1b: {  	s28 =	simm.s32 @p0 $0x6  }
0x1c: {  	_ =	swait.ge @p0 [sflag:s28], $0x2000  }
0x1d: {  	[sflag:s28] =	ssyncset.done @p0 $0x0  }
0x1e: {  	s29 =	simm.s32 @p0 $0x8400;
	[sflag:s28] =	ssyncadd.s32 @p0 $0xFFFFE000;
	s28 =	sor.u32 @p0 $0x80, s0  }
0x1f: {  	[tilespmem:s29], [sflag:$0x2] =	stream.indirect.gather @p0 [hbm4b:s4+s2], $0x40, s28, s2, $0xb8;
	[tilespmem:$0x16C00] =	vst v63  }
0x20: {  	s28 =	simm.s32 @p0 $0x7  }
0x21: {  	_ =	swait.ge @p0 [sflag:s28], $0x2000  }
0x22: {  	[sflag:s28] =	ssyncset.done @p0 $0x0  }
0x23: {  	s29 =	simm.s32 @p0 $0xA400;
	[sflag:s28] =	ssyncadd.s32 @p0 $0xFFFFE000;
	s28 =	sor.u32 @p0 $0x100, s0  }
0x24: {  	[tilespmem:s29], [sflag:$0x3] =	stream.indirect.gather @p0 [hbm4b:s4+s2], $0x40, s28, s2, $0xb8;
	[tilespmem:$0x16C00] =	vst v63  }
0x25: {  	s2 =	simm.s32 @p0 $0x8  }
0x26: {  	_ =	swait.ge @p0 [sflag:s2], $0x2000  }
0x27: {  	s31 =	simm.s32 $0x0;
	s28 =	simm.s32 @!p0 $0x0;
	[sflag:s2] =	ssyncset.done @p0 $0x0  }
0x28: {  	s29 =	simm.s32 @!p0 $0x6400;
	[sflag:s2] =	ssyncadd.s32 @p0 $0xFFFFE000;
	s2 =	simm.s32 @!p0 $0x80  }
0x29: {  	[tilespmem:s29], [sflag:$0x1] =	stream.indirect.gather @!p0 [hbm4b:s4+s2], $0x40, s28, s2, $0xb8;
	[tilespmem:$0x16C00] =	vst v63  }
0x2a: {  	s8 =	simm.s32 $0x2;
	v33 =	vmov s31;
	s31 =	simm.s32 $0x3;
	s28 =	simm.s32 @!p0 $0x8400  }
0x2b: {  	[tilespmem:s28], [sflag:$0x2] =	stream.indirect.gather @!p0 [hbm4b:s4+s2], $0x40, s2, s2, $0xb8;
	[tilespmem:$0x16C00] =	vst v63  }
0x2c: {  	v35 =	vmov s8;
	s8 =	simm.s32 $0x4;
	s29 =	simm.s32 @!p0 $0xA400;
	s28 =	simm.s32 @!p0 $0x100  }
0x2d: {  	v33 =	vshrl.u32 v33, $0x3;
	[tilespmem:s29], [sflag:$0x3] =	stream.indirect.gather @!p0 [hbm4b:s4+s2], $0x40, s28, s2, $0xb8;
	[tilespmem:$0x16C00] =	vst v63  }
0x2e: {  	v36 =	vmov s31;
	s31 =	simm.s32 $0x5;
	v37 =	vmov s8;
	v35 =	vshrl.u32 v35, $0x3;
	s0 =	simm.s32 @!p0 $0x0;
	s28 =	simm.s32 $0x7  }
0x2f: {  	s8 =	simm.s32 $0x6;
	v39 =	vmov s31;
	v33 =	vshll.u32 v33, v1;
	s0 =	sadd.s32 $0x180, s0;
	s2 =	simm.s32 $0x1;
	v38 =	vmov s28  }
0x30: {  	v40 =	vmov s8;
	v36 =	vshrl.u32 v36, $0x3;
	[tilespmem:s12], [sflag:$0x4] =	stream.indirect.gather [hbm4b:s4+s11], $0x40, s0, s11, $0xb8;
	v38 =	vshrl.u32 v38, $0x3;
	[tilespmem:$0x16C00] =	vst v63  }
0x31: {  	v37 =	vshrl.u32 v37, $0x3;
	v34 =	vmov s2;
	_ =	swait.ge [sflag:s13], $0x2000;
	v38 =	vshll.u32 v38, v1  }
0x32: {  	v52 =	vshll.u32 v35, v1;
	v34 =	vshrl.u32 v34, $0x3;
	[sflag:s13] =	ssyncset.done $0x0;
	v38 =	vbroadcast v38, $0x0  }
0x33: {  	v33 =	vbroadcast v33, $0x0;
	v52 =	vbroadcast v52, $0x0;
	s28 =	simm.s32 $0x6500;
	v34 =	vshll.u32 v34, v1;
	[sflag:s13] =	ssyncadd.s32 $0xFFFFE000  }
0x34: {  	v53 =	vshll.u32 v36, v1;
	v45 =	vbroadcast v34, $0x0;
	v41 =	vld [tilespmem:s28+$0xC0];
	v42 =	vadd.s32 v29, v38  }
0x35: {  	v54 =	vshll.u32 v37, v1;
	v55 =	vshrl.u32 v39, $0x3;
	v44 =	vadd.s32 v0, v33;
	v43 =	vld [tilespmem:s28+$0xFFFFFF00]  }
0x36: {  	v40 =	vshrl.u32 v40, $0x3;
	v35 =	vbroadcast v53, $0x0;
	v46 =	vld [tilespmem:s28+$0xFFFFFF40];
	v47 =	vadd.s32 v5, v45  }
0x37: {  	v36 =	vshll.u32 v55, v1;
	v49 =	vadd.s32 v9, v52;
	v34 =	vbroadcast v54, $0x0;
	v48 =	vld [tilespmem:s28+$0xFFFFFF80]  }
0x38: {  	v56 =	vshll.u32 v40, v1;
	v37 =	vbroadcast v36, $0x0;
	v50 =	vadd.s32 v13, v35;
	v39 =	vld [tilespmem:s28+$0xFFFFFFC0]  }
0x39: {  	v36 =	vbroadcast v56, $0x0;
	v51 =	vld [tilespmem:s28+$0x0];
	v53 =	vadd.s32 v17, v34;
	[tilespmem:v42+s14+$0x0] =	vst.idx.msk $0xffff, v41  }
0x3a: {  	v60 =	vadd.s32 v21, v37;
	v59 =	vld [tilespmem:s28+$0x40];
	[tilespmem:v44+s14+$0x0] =	vst.idx.msk $0xffff, v43  }
0x3b: {  	v62 =	vadd.s32 v25, v36;
	v61 =	vld [tilespmem:s28+$0x80];
	[tilespmem:v47+s14+$0x0] =	vst.idx.msk $0xffff, v46  }
0x3c: {  	v58 =	vadd.s32 v30, v38;
	[tilespmem:v49+s14+$0x0] =	vst.idx.msk $0xffff, v48;
	v57 =	vld [tilespmem:s28+$0xD0]  }
0x3d: {  	v63 =	vadd.s32 v6, v45;
	[tilespmem:v50+s14+$0x0] =	vst.idx.msk $0xffff, v39;
	v47 =	vld [tilespmem:s28+$0xFFFFFF50]  }
0x3e: {  	v55 =	vadd.s32 v10, v52;
	[tilespmem:v53+s14+$0x0] =	vst.idx.msk $0xffff, v51;
	v54 =	vld [tilespmem:s28+$0xFFFFFF90]  }
0x3f: {  	v56 =	vadd.s32 v14, v35;
	[tilespmem:v60+s14+$0x0] =	vst.idx.msk $0xffff, v59;
	v50 =	vld [tilespmem:s28+$0xFFFFFFD0]  }
0x40: {  	[tilespmem:v62+s14+$0x0] =	vst.idx.msk $0xffff, v61;
	v46 =	vadd.s32 v22, v37;
	v44 =	vld [tilespmem:s28+$0x50]  }
0x41: {  	v59 =	vadd.s32 v18, v34;
	[tilespmem:v58+s14+$0x0] =	vst.idx.msk $0xffff, v57;
	v58 =	vld [tilespmem:s28+$0x10]  }
0x42: {  	v57 =	vadd.s32 v31, v38;
	[tilespmem:v63+s14+$0x0] =	vst.idx.msk $0xffff, v47;
	v40 =	vld [tilespmem:s28+$0xE0]  }
0x43: {  	v62 =	vadd.s32 v2, v33;
	v61 =	vld [tilespmem:s28+$0xFFFFFF10];
	[tilespmem:v55+s14+$0x0] =	vst.idx.msk $0xffff, v54  }
0x44: {  	v60 =	vadd.s32 v26, v36;
	v63 =	vld [tilespmem:s28+$0x90];
	[tilespmem:v56+s14+$0x0] =	vst.idx.msk $0xffff, v50  }
0x45: {  	v51 =	vadd.s32 v7, v45;
	[tilespmem:v46+s14+$0x0] =	vst.idx.msk $0xffff, v44;
	v50 =	vld [tilespmem:s28+$0xFFFFFF60]  }
0x46: {  	v56 =	vadd.s32 v11, v52;
	v55 =	vld [tilespmem:s28+$0xFFFFFFA0];
	[tilespmem:v59+s14+$0x0] =	vst.idx.msk $0xffff, v58  }
0x47: {  	v58 =	vadd.s32 v15, v35;
	[tilespmem:v57+s14+$0x0] =	vst.idx.msk $0xffff, v40;
	v57 =	vld [tilespmem:s28+$0xFFFFFFE0]  }
0x48: {  	v38 =	vadd.s32 v32, v38;
	[tilespmem:v62+s14+$0x0] =	vst.idx.msk $0xffff, v61;
	v54 =	vld [tilespmem:s28+$0xF0]  }
0x49: {  	s2 =	simm.s32 $0x9;
	[tilespmem:v60+s14+$0x0] =	vst.idx.msk $0xffff, v63;
	v60 =	vadd.s32 v19, v34;
	v59 =	vld [tilespmem:s28+$0x20]  }
0x4a: {  	s31 =	simm.s32 $0x8;
	v41 =	vadd.s32 v23, v37;
	v53 =	vmov s2;
	[tilespmem:v51+s14+$0x0] =	vst.idx.msk $0xffff, v50;
	v40 =	vld [tilespmem:s28+$0x60]  }
0x4b: {  	v43 =	vadd.s32 v27, v36;
	s2 =	simm.s32 $0xC;
	v48 =	vadd.s32 v3, v33;
	v63 =	vmov s31;
	v42 =	vld [tilespmem:s28+$0xA0];
	[tilespmem:v56+s14+$0x0] =	vst.idx.msk $0xffff, v55  }
0x4c: {  	s8 =	simm.s32 $0xA;
	v47 =	vmov s2;
	v52 =	vadd.s32 v12, v52;
	v46 =	vld [tilespmem:s28+$0xFFFFFF20];
	s31 =	simm.s32 $0xB;
	v39 =	vshrl.u32 v63, $0x3;
	[tilespmem:v58+s14+$0x0] =	vst.idx.msk $0xffff, v57  }
0x4d: {  	v44 =	vmov s31;
	s31 =	simm.s32 $0xE;
	v51 =	vadd.s32 v8, v45;
	v49 =	vld [tilespmem:s28+$0xFFFFFF70];
	[tilespmem:v38+s14+$0x0] =	vst.idx.msk $0xffff, v54;
	v54 =	vmov s8;
	s8 =	simm.s32 $0xD  }
0x4e: {  	s30 =	simm.s32 $0xF;
	s29 =	simm.s32 $0x10;
	v45 =	vshll.u32 v39, v1;
	v39 =	vmov s31;
	v50 =	vld [tilespmem:s28+$0xFFFFFFB0];
	[tilespmem:v60+s14+$0x0] =	vst.idx.msk $0xffff, v59;
	v38 =	vmov s8  }
.LBB2_3:
0x4f: {  	p0 =	slt.u32 s29, $0x78;
	v53 =	vshrl.u32 v53, $0x3;
	v55 =	vmov s30;
	v56 =	vld [tilespmem:s28+$0xFFFFFFF0];
	v35 =	vadd.s32 v16, v35;
	[tilespmem:v41+s14+$0x0] =	vst.idx.msk $0xffff, v40  }
0x50: {  	v40 =	vshrl.u32 v54, $0x3;
	v34 =	vadd.s32 v20, v34;
	v41 =	vshrl.u32 v55, $0x3;
	v54 =	vld [tilespmem:s28+$0x30];
	[tilespmem:v43+s14+$0x0] =	vst.idx.msk $0xffff, v42  }
0x51: {  	v37 =	vadd.s32 v24, v37;
	v42 =	vshrl.u32 v44, $0x3;
	v41 =	vshll.u32 v41, v1;
	[tilespmem:v48+s14+$0x0] =	vst.idx.msk $0xffff, v46;
	v43 =	vld [tilespmem:s28+$0x70]  }
0x52: {  	v36 =	vadd.s32 v28, v36;
	v44 =	vshrl.u32 v47, $0x3;
	v41 =	vbroadcast v41, $0x0;
	[tilespmem:v51+s14+$0x0] =	vst.idx.msk $0xffff, v49;
	v46 =	vld [tilespmem:s28+$0xB0]  }
0x53: {  	v47 =	vshll.u32 v53, v1;
	v49 =	vadd.s32 v4, v33;
	v33 =	vbroadcast v45, $0x0;
	v48 =	vld [tilespmem:s28+$0xFFFFFF30];
	[tilespmem:v52+s14+$0x0] =	vst.idx.msk $0xffff, v50;
	s28 =	sadd.s32 $0x200, s28  }
0x54: {  	v40 =	vshll.u32 v40, v1;
	v45 =	vbroadcast v47, $0x0;
	v47 =	vld [tilespmem:s28+$0xC0];
	v50 =	vadd.s32 v29, v41;
	[tilespmem:v35+s14+$0x0] =	vst.idx.msk $0xffff, v56  }
0x55: {  	v55 =	vbroadcast v40, $0x0;
	v52 =	vadd.s32 v0, v33;
	v35 =	vshll.u32 v42, v1;
	v51 =	vld [tilespmem:s28+$0xFFFFFF00];
	[tilespmem:v34+s14+$0x0] =	vst.idx.msk $0xffff, v54  }
0x56: {  	v42 =	vadd.s32 v5, v45;
	v35 =	vbroadcast v35, $0x0;
	v34 =	vshll.u32 v44, v1;
	v40 =	vld [tilespmem:s28+$0xFFFFFF40];
	[tilespmem:v37+s14+$0x0] =	vst.idx.msk $0xffff, v43  }
0x57: {  	v44 =	vadd.s32 v9, v55;
	v34 =	vbroadcast v34, $0x0;
	v37 =	vshrl.u32 v38, $0x3;
	v43 =	vld [tilespmem:s28+$0xFFFFFF80];
	[tilespmem:v36+s14+$0x0] =	vst.idx.msk $0xffff, v46  }
0x58: {  	v39 =	vshrl.u32 v39, $0x3;
	v46 =	vadd.s32 v13, v35;
	v36 =	vshll.u32 v37, v1;
	v38 =	vld [tilespmem:s28+$0xFFFFFFC0];
	[tilespmem:v49+s14+$0x0] =	vst.idx.msk $0xffff, v48  }
0x59: {  	v49 =	vadd.s32 v17, v34;
	v37 =	vbroadcast v36, $0x0;
	v36 =	vshll.u32 v39, v1;
	v48 =	vld [tilespmem:s28+$0x0];
	[tilespmem:v50+s14+$0x0] =	vst.idx.msk $0xffff, v47  }
0x5a: {  	v36 =	vbroadcast v36, $0x0;
	v47 =	vadd.s32 v30, v41;
	[tilespmem:v52+s14+$0x0] =	vst.idx.msk $0xffff, v51;
	v39 =	vld [tilespmem:s28+$0xD0]  }
0x5b: {  	[tilespmem:v42+s14+$0x0] =	vst.idx.msk $0xffff, v40;
	v40 =	vld [tilespmem:s28+$0x40];
	v42 =	vadd.s32 v21, v37  }
0x5c: {  	[tilespmem:v44+s14+$0x0] =	vst.idx.msk $0xffff, v43;
	v43 =	vld [tilespmem:s28+$0x80];
	v44 =	vadd.s32 v25, v36  }
0x5d: {  	v51 =	vadd.s32 v6, v45;
	v50 =	vld [tilespmem:s28+$0xFFFFFF50];
	[tilespmem:v46+s14+$0x0] =	vst.idx.msk $0xffff, v38  }
0x5e: {  	v46 =	vadd.s32 v10, v55;
	v38 =	vld [tilespmem:s28+$0xFFFFFF90];
	[tilespmem:v49+s14+$0x0] =	vst.idx.msk $0xffff, v48  }
0x5f: {  	v49 =	vadd.s32 v14, v35;
	v48 =	vld [tilespmem:s28+$0xFFFFFFD0];
	[tilespmem:v47+s14+$0x0] =	vst.idx.msk $0xffff, v39  }
0x60: {  	[tilespmem:v42+s14+$0x0] =	vst.idx.msk $0xffff, v40;
	v39 =	vld [tilespmem:s28+$0xE0];
	v40 =	vadd.s32 v31, v41  }
0x61: {  	v47 =	vadd.s32 v18, v34;
	v42 =	vld [tilespmem:s28+$0x10];
	[tilespmem:v44+s14+$0x0] =	vst.idx.msk $0xffff, v43  }
0x62: {  	v44 =	vadd.s32 v22, v37;
	[tilespmem:v51+s14+$0x0] =	vst.idx.msk $0xffff, v50;
	v43 =	vld [tilespmem:s28+$0x50]  }
0x63: {  	[tilespmem:v46+s14+$0x0] =	vst.idx.msk $0xffff, v38;
	v38 =	vld [tilespmem:s28+$0x90];
	v46 =	vadd.s32 v26, v36  }
0x64: {  	v51 =	vadd.s32 v2, v33;
	v50 =	vld [tilespmem:s28+$0xFFFFFF10];
	[tilespmem:v49+s14+$0x0] =	vst.idx.msk $0xffff, v48  }
0x65: {  	v49 =	vadd.s32 v7, v45;
	v48 =	vld [tilespmem:s28+$0xFFFFFF60];
	[tilespmem:v40+s14+$0x0] =	vst.idx.msk $0xffff, v39  }
0x66: {  	[tilespmem:v47+s14+$0x0] =	vst.idx.msk $0xffff, v42;
	v39 =	vld [tilespmem:s28+$0xF0];
	v47 =	vadd.s32 v32, v41  }
0x67: {  	v56 =	vadd.s32 v11, v55;
	v52 =	vld [tilespmem:s28+$0xFFFFFFA0];
	[tilespmem:v44+s14+$0x0] =	vst.idx.msk $0xffff, v43  }
0x68: {  	v58 =	vadd.s32 v15, v35;
	v57 =	vld [tilespmem:s28+$0xFFFFFFE0];
	[tilespmem:v46+s14+$0x0] =	vst.idx.msk $0xffff, v38  }
0x69: {  	v60 =	vadd.s32 v19, v34;
	[tilespmem:v51+s14+$0x0] =	vst.idx.msk $0xffff, v50;
	v59 =	vld [tilespmem:s28+$0x20]  }
.Ltmp0:
0x6a: {  	s0 =	sadd.s32 $0x1, s29;
	v41 =	vadd.s32 v23, v37;
	v38 =	vmov s29;
	[tilespmem:v49+s14+$0x0] =	vst.idx.msk $0xffff, v48;
	v40 =	vld [tilespmem:s28+$0x60];
	(pc) =	sbr.rel @p0 .LBB2_3-.Ltmp0, $4  }
0x6b: {  	s2 =	sadd.s32 $0x3, s29;
	v53 =	vmov s0;
	s0 =	sadd.s32 $0x2, s29;
	v43 =	vadd.s32 v27, v36;
	v50 =	vshrl.u32 v38, $0x3;
	v42 =	vld [tilespmem:s28+$0xA0];
	[tilespmem:v47+s14+$0x0] =	vst.idx.msk $0xffff, v39  }
0x6c: {  	v54 =	vmov s0;
	s0 =	sadd.s32 $0x4, s29;
	v44 =	vmov s2;
	s2 =	sadd.s32 $0x5, s29;
	v48 =	vadd.s32 v3, v33;
	v46 =	vld [tilespmem:s28+$0xFFFFFF20];
	[tilespmem:v56+s14+$0x0] =	vst.idx.msk $0xffff, v52  }
0x6d: {  	v38 =	vmov s2;
	v51 =	vadd.s32 v8, v45;
	v47 =	vmov s0;
	s0 =	sadd.s32 $0x6, s29;
	v49 =	vld [tilespmem:s28+$0xFFFFFF70];
	[tilespmem:v58+s14+$0x0] =	vst.idx.msk $0xffff, v57  }
0x6e: {  	s30 =	sadd.s32 $0x7, s29;
	v45 =	vshll.u32 v50, v1;
	s29 =	sadd.s32 $0x8, s29;
	v39 =	vmov s0;
	v52 =	vadd.s32 v12, v55;
	v50 =	vld [tilespmem:s28+$0xFFFFFFB0];
	[tilespmem:v60+s14+$0x0] =	vst.idx.msk $0xffff, v59  }
0x6f: {  	_ =	sdelay $0x2  }
0x70: {  	v53 =	vshrl.u32 v53, $0x3  }
0x71: {  	v55 =	vmov s30;
	v56 =	vld [tilespmem:s28+$0xFFFFFFF0];
	v35 =	vadd.s32 v16, v35;
	[tilespmem:v41+s14+$0x0] =	vst.idx.msk $0xffff, v40;
	v57 =	vshrl.u32 v54, $0x3  }
0x72: {  	v59 =	vld [tilespmem:s28+$0x30];
	v34 =	vadd.s32 v20, v34;
	v60 =	vshrl.u32 v44, $0x3;
	v58 =	vshrl.u32 v55, $0x3;
	[tilespmem:v43+s14+$0x0] =	vst.idx.msk $0xffff, v42  }
0x73: {  	v37 =	vadd.s32 v24, v37;
	v62 =	vshrl.u32 v47, $0x3;
	v61 =	vld [tilespmem:s28+$0x70];
	v41 =	vshll.u32 v58, v1;
	[tilespmem:v48+s14+$0x0] =	vst.idx.msk $0xffff, v46  }
0x74: {  	v36 =	vadd.s32 v28, v36;
	v45 =	vbroadcast v45, $0x0;
	v63 =	vld [tilespmem:s28+$0xB0];
	v41 =	vbroadcast v41, $0x0;
	[tilespmem:v51+s14+$0x0] =	vst.idx.msk $0xffff, v49  }
0x75: {  	v33 =	vadd.s32 v4, v33;
	v38 =	vshrl.u32 v38, $0x3;
	v55 =	vshll.u32 v53, v1;
	v48 =	vld [tilespmem:s28+$0xFFFFFF30];
	s28 =	sadd.s32 $0x200, s28;
	[tilespmem:v52+s14+$0x0] =	vst.idx.msk $0xffff, v50  }
0x76: {  	v40 =	vshll.u32 v57, v1;
	v47 =	vbroadcast v55, $0x0;
	v49 =	vld [tilespmem:s28+$0xC0];
	v50 =	vadd.s32 v29, v41;
	[tilespmem:v35+s14+$0x0] =	vst.idx.msk $0xffff, v56  }
0x77: {  	v42 =	vshll.u32 v60, v1;
	v40 =	vbroadcast v40, $0x0;
	v35 =	vld [tilespmem:s28+$0xFFFFFF00];
	v56 =	vadd.s32 v0, v45;
	[tilespmem:v34+s14+$0x0] =	vst.idx.msk $0xffff, v59  }
0x78: {  	v44 =	vshll.u32 v62, v1;
	v42 =	vbroadcast v42, $0x0;
	v57 =	vld [tilespmem:s28+$0xFFFFFF40];
	v58 =	vadd.s32 v5, v47;
	[tilespmem:v37+s14+$0x0] =	vst.idx.msk $0xffff, v61  }
0x79: {  	v38 =	vshll.u32 v38, v1;
	v44 =	vbroadcast v44, $0x0;
	v60 =	vadd.s32 v9, v40;
	v59 =	vld [tilespmem:s28+$0xFFFFFF80];
	[tilespmem:v36+s14+$0x0] =	vst.idx.msk $0xffff, v63  }
0x7a: {  	v38 =	vbroadcast v38, $0x0;
	v62 =	vadd.s32 v13, v42;
	v61 =	vld [tilespmem:s28+$0xFFFFFFC0];
	[tilespmem:v33+s14+$0x0] =	vst.idx.msk $0xffff, v48  }
0x7b: {  	v39 =	vshrl.u32 v39, $0x3;
	v63 =	vadd.s32 v17, v44;
	v33 =	vld [tilespmem:s28+$0x0];
	[tilespmem:v50+s14+$0x0] =	vst.idx.msk $0xffff, v49  }
0x7c: {  	v39 =	vshll.u32 v39, v1;
	v34 =	vld [tilespmem:s28+$0x40];
	[tilespmem:v56+s14+$0x0] =	vst.idx.msk $0xffff, v35;
	v56 =	vadd.s32 v21, v38  }
0x7d: {  	[tilespmem:v58+s14+$0x0] =	vst.idx.msk $0xffff, v57;
	v35 =	vbroadcast v39, $0x0;
	v49 =	vadd.s32 v30, v41;
	v39 =	vld [tilespmem:s28+$0xD0]  }
0x7e: {  	[tilespmem:v60+s14+$0x0] =	vst.idx.msk $0xffff, v59;
	v59 =	vld [tilespmem:s28+$0xFFFFFF50];
	v60 =	vadd.s32 v6, v47  }
0x7f: {  	v57 =	vld [tilespmem:s28+$0x80];
	[tilespmem:v62+s14+$0x0] =	vst.idx.msk $0xffff, v61;
	v58 =	vadd.s32 v25, v35  }
0x80: {  	v61 =	vld [tilespmem:s28+$0xFFFFFF90];
	v62 =	vadd.s32 v10, v40;
	[tilespmem:v63+s14+$0x0] =	vst.idx.msk $0xffff, v33  }
0x81: {  	v33 =	vld [tilespmem:s28+$0xFFFFFFD0];
	v63 =	vadd.s32 v14, v42;
	[tilespmem:v56+s14+$0x0] =	vst.idx.msk $0xffff, v34  }
0x82: {  	v56 =	vadd.s32 v18, v44;
	[tilespmem:v49+s14+$0x0] =	vst.idx.msk $0xffff, v39;
	v49 =	vld [tilespmem:s28+$0x10]  }
0x83: {  	[tilespmem:v60+s14+$0x0] =	vst.idx.msk $0xffff, v59;
	v39 =	vadd.s32 v31, v41;
	v34 =	vld [tilespmem:s28+$0xE0]  }
0x84: {  	[tilespmem:v58+s14+$0x0] =	vst.idx.msk $0xffff, v57;
	v57 =	vld [tilespmem:s28+$0x50];
	v58 =	vadd.s32 v22, v38  }
0x85: {  	[tilespmem:v62+s14+$0x0] =	vst.idx.msk $0xffff, v61;
	v61 =	vld [tilespmem:s28+$0xFFFFFF10];
	v62 =	vadd.s32 v2, v45  }
0x86: {  	v60 =	vadd.s32 v26, v35;
	v59 =	vld [tilespmem:s28+$0x90];
	[tilespmem:v63+s14+$0x0] =	vst.idx.msk $0xffff, v33  }
0x87: {  	v55 =	vadd.s32 v11, v40;
	v54 =	vadd.s32 v32, v41;
	v41 =	vld [tilespmem:s28+$0xFFFFFFA0];
	[tilespmem:v56+s14+$0x0] =	vst.idx.msk $0xffff, v49  }
0x88: {  	v53 =	vadd.s32 v7, v47;
	v63 =	vld [tilespmem:s28+$0xFFFFFF60];
	[tilespmem:v39+s14+$0x0] =	vst.idx.msk $0xffff, v34  }
0x89: {  	v56 =	vld [tilespmem:s28+$0xFFFFFFE0];
	[tilespmem:v58+s14+$0x0] =	vst.idx.msk $0xffff, v57;
	v57 =	vadd.s32 v15, v42  }
0x8a: {  	[tilespmem:v62+s14+$0x0] =	vst.idx.msk $0xffff, v61;
	v34 =	vld [tilespmem:s28+$0xF0]  }
0x8b: {  	v58 =	vld [tilespmem:s28+$0x20];
	[tilespmem:v60+s14+$0x0] =	vst.idx.msk $0xffff, v59;
	v59 =	vadd.s32 v19, v44  }
0x8c: {  	v61 =	vadd.s32 v23, v38;
	[tilespmem:v55+s14+$0x0] =	vst.idx.msk $0xffff, v41;
	v60 =	vld [tilespmem:s28+$0x60]  }
0x8d: {  	[tilespmem:v53+s14+$0x0] =	vst.idx.msk $0xffff, v63;
	v63 =	vadd.s32 v27, v35;
	v62 =	vld [tilespmem:s28+$0xA0]  }
0x8e: {  	v47 =	vadd.s32 v8, v47;
	v55 =	vld [tilespmem:s28+$0xFFFFFF70];
	[tilespmem:v57+s14+$0x0] =	vst.idx.msk $0xffff, v56  }
0x8f: {  	v53 =	vld [tilespmem:s28+$0xFFFFFF20];
	[tilespmem:v54+s14+$0x0] =	vst.idx.msk $0xffff, v34;
	v54 =	vadd.s32 v3, v45  }
0x90: {  	v40 =	vadd.s32 v12, v40;
	v56 =	vld [tilespmem:s28+$0xFFFFFFB0];
	[tilespmem:v59+s14+$0x0] =	vst.idx.msk $0xffff, v58  }
0x91: {  	v42 =	vadd.s32 v16, v42;
	v57 =	vld [tilespmem:s28+$0xFFFFFFF0];
	[tilespmem:v61+s14+$0x0] =	vst.idx.msk $0xffff, v60  }
0x92: {  	v59 =	vadd.s32 v20, v44;
	v58 =	vld [tilespmem:s28+$0x30];
	[tilespmem:v63+s14+$0x0] =	vst.idx.msk $0xffff, v62  }
0x93: {  	v38 =	vadd.s32 v24, v38;
	v60 =	vld [tilespmem:s28+$0x70];
	[tilespmem:v47+s14+$0x0] =	vst.idx.msk $0xffff, v55  }
0x94: {  	v35 =	vadd.s32 v28, v35;
	v61 =	vld [tilespmem:s28+$0xB0];
	[tilespmem:v54+s14+$0x0] =	vst.idx.msk $0xffff, v53  }
0x95: {  	v63 =	vadd.s32 v4, v45;
	[tilespmem:v40+s14+$0x0] =	vst.idx.msk $0xffff, v56;
	v62 =	vld [tilespmem:s28+$0xFFFFFF30]  }
0x96: {  	[tilespmem:v42+s14+$0x0] =	vst.idx.msk $0xffff, v57  }
0x97: {  	s0 =	sshll.u32 s26, $0x14;
	[tilespmem:v59+s14+$0x0] =	vst.idx.msk $0xffff, v58  }
0x98: {  	s0 =	sor.u32 s5, s0;
	[tilespmem:v38+s14+$0x0] =	vst.idx.msk $0xffff, v60  }
0x99: {  	s28 =	sshrl.u32 s0, $0x3;
	[tilespmem:v35+s14+$0x0] =	vst.idx.msk $0xffff, v61  }
0x9a: {  	s2 =	simm.s32 $0xE400;
	s30 =	sadd.s32 s1, s28;
	[tilespmem:v63+s14+$0x0] =	vst.idx.msk $0xffff, v62  }
0x9b: {  	[hbm4b:s30+s3] =	stream.linear.scatter [tilespmem:s2], [sflag:$0x5], $0x80, $0x38;
	[tilespmem:$0x16C00] =	vst v63  }
0x9c: {  	s8 =	simm.s32 $0xE488;
	s2 =	sadd.s32 $0x10, s30  }
0x9d: {  	[hbm4b:s2+s3] =	stream.linear.scatter [tilespmem:s8], [sflag:$0x5], $0x80, $0x38;
	[tilespmem:$0x16C00] =	vst v63  }
0x9e: {  	s2 =	simm.s32 $0xE510;
	s8 =	sadd.s32 $0x20, s30  }
0x9f: {  	[hbm4b:s8+s3] =	stream.linear.scatter [tilespmem:s2], [sflag:$0x5], $0x80, $0x38;
	[tilespmem:$0x16C00] =	vst v63  }
0xa0: {  	s2 =	simm.s32 $0xE598;
	s8 =	sadd.s32 $0x30, s30  }
0xa1: {  	[hbm4b:s8+s3] =	stream.linear.scatter [tilespmem:s2], [sflag:$0x5], $0x80, $0x38;
	[tilespmem:$0x16C00] =	vst v63  }
0xa2: {  	s2 =	simm.s32 $0xE620;
	s8 =	sadd.s32 $0x40, s30  }
0xa3: {  	[hbm4b:s8+s3] =	stream.linear.scatter [tilespmem:s2], [sflag:$0x5], $0x80, $0x38;
	[tilespmem:$0x16C00] =	vst v63  }
0xa4: {  	s29 =	simm.s32 $0x440;
	s2 =	simm.s32 $0xE6A8;
	s8 =	sadd.s32 $0x50, s30  }
0xa5: {  	[hbm4b:s8+s3] =	stream.linear.scatter [tilespmem:s2], [sflag:$0x5], $0x80, $0x38;
	[tilespmem:$0x16C00] =	vst v63  }
0xa6: {  	s31 =	simm.s32 $0x2200;
	s2 =	simm.s32 $0xE730;
	s8 =	sadd.s32 $0x60, s30  }
0xa7: {  	[hbm4b:s8+s3] =	stream.linear.scatter [tilespmem:s2], [sflag:$0x5], $0x80, $0x38;
	[tilespmem:$0x16C00] =	vst v63  }
0xa8: {  	s0 =	simm.s32 $0xE7B8;
	s2 =	sadd.s32 $0x70, s30;
	s30 =	sadd.s32 $0x4000, s30  }
.LBB2_5:
0xa9: {  	[hbm4b:s2+s3] =	stream.linear.scatter [tilespmem:s0], [sflag:$0x5], $0x80, $0x38;
	[tilespmem:$0x16C00] =	vst v63  }
0xaa: {  	s0 =	smov.u32 s29;
	s2 =	smov.u32 s31  }
0xab: {  	s8 =	sadd.s32 $0x1100, s31;
	s29 =	sshra.s32 s2, $0x2;
	s2 =	sadd.s32 $0xE400, s0  }
0xac: {  	[hbm4b:s30+s3] =	stream.linear.scatter [tilespmem:s2], [sflag:$0x5], $0x80, $0x38;
	[tilespmem:$0x16C00] =	vst v63  }
0xad: {  	p0 =	sne.s32 s31, $0x7700;
	s31 =	sadd.s32 $0x10, s30;
	s2 =	sadd.s32 $0xE488, s0  }
0xae: {  	[hbm4b:s31+s3] =	stream.linear.scatter [tilespmem:s2], [sflag:$0x5], $0x80, $0x38;
	[tilespmem:$0x16C00] =	vst v63  }
0xaf: {  	s2 =	sadd.s32 $0xE510, s0;
	s31 =	sadd.s32 $0x20, s30  }
0xb0: {  	[hbm4b:s31+s3] =	stream.linear.scatter [tilespmem:s2], [sflag:$0x5], $0x80, $0x38;
	[tilespmem:$0x16C00] =	vst v63  }
0xb1: {  	s2 =	sadd.s32 $0xE598, s0;
	s31 =	sadd.s32 $0x30, s30  }
0xb2: {  	[hbm4b:s31+s3] =	stream.linear.scatter [tilespmem:s2], [sflag:$0x5], $0x80, $0x38;
	[tilespmem:$0x16C00] =	vst v63  }
0xb3: {  	s2 =	sadd.s32 $0xE620, s0;
	s31 =	sadd.s32 $0x40, s30  }
0xb4: {  	[hbm4b:s31+s3] =	stream.linear.scatter [tilespmem:s2], [sflag:$0x5], $0x80, $0x38;
	[tilespmem:$0x16C00] =	vst v63  }
.Ltmp1:
0xb5: {  	s2 =	sadd.s32 $0xE6A8, s0;
	s31 =	sadd.s32 $0x50, s30;
	(pc) =	sbr.rel @p0 .LBB2_5-.Ltmp1, $4  }
0xb6: {  	[hbm4b:s31+s3] =	stream.linear.scatter [tilespmem:s2], [sflag:$0x5], $0x80, $0x38;
	[tilespmem:$0x16C00] =	vst v63  }
0xb7: {  	s2 =	sadd.s32 $0xE730, s0;
	s31 =	sadd.s32 $0x60, s30;
	s0 =	sadd.s32 $0xE7B8, s0  }
0xb8: {  	[hbm4b:s31+s3] =	stream.linear.scatter [tilespmem:s2], [sflag:$0x5], $0x80, $0x38;
	[tilespmem:$0x16C00] =	vst v63  }
0xb9: {  	s2 =	sadd.s32 $0x70, s30;
	s30 =	sadd.s32 $0x4000, s30;
	s31 =	smov.u32 s8  }
0xba: {  	[hbm4b:s2+s3] =	stream.linear.scatter [tilespmem:s0], [sflag:$0x5], $0x80, $0x38;
	[tilespmem:$0x16C00] =	vst v63  }
0xbb: {  	s8 =	sadd.s32 $0xE400, s29  }
0xbc: {  	[hbm4b:s30+s3] =	stream.linear.scatter [tilespmem:s8], [sflag:$0x5], $0x80, $0x38;
	[tilespmem:$0x16C00] =	vst v63  }
0xbd: {  	s2 =	sadd.s32 $0xE488, s29;
	s8 =	sadd.s32 $0x10, s30  }
0xbe: {  	[hbm4b:s8+s3] =	stream.linear.scatter [tilespmem:s2], [sflag:$0x5], $0x80, $0x38;
	[tilespmem:$0x16C00] =	vst v63  }
0xbf: {  	s2 =	sadd.s32 $0xE510, s29;
	s8 =	sadd.s32 $0x20, s30  }
0xc0: {  	[hbm4b:s8+s3] =	stream.linear.scatter [tilespmem:s2], [sflag:$0x5], $0x80, $0x38;
	[tilespmem:$0x16C00] =	vst v63  }
0xc1: {  	s2 =	sadd.s32 $0xE598, s29;
	s8 =	sadd.s32 $0x30, s30  }
0xc2: {  	[hbm4b:s8+s3] =	stream.linear.scatter [tilespmem:s2], [sflag:$0x5], $0x80, $0x38;
	[tilespmem:$0x16C00] =	vst v63  }
0xc3: {  	s2 =	sadd.s32 $0xE620, s29;
	s8 =	sadd.s32 $0x40, s30  }
0xc4: {  	[hbm4b:s8+s3] =	stream.linear.scatter [tilespmem:s2], [sflag:$0x5], $0x80, $0x38;
	[tilespmem:$0x16C00] =	vst v63  }
0xc5: {  	s2 =	sadd.s32 $0xE6A8, s29;
	s8 =	sadd.s32 $0x50, s30  }
0xc6: {  	[hbm4b:s8+s3] =	stream.linear.scatter [tilespmem:s2], [sflag:$0x5], $0x80, $0x38;
	[tilespmem:$0x16C00] =	vst v63  }
0xc7: {  	s0 =	simm.s32 $0x3;
	s2 =	sadd.s32 $0xE730, s29;
	s8 =	sadd.s32 $0x60, s30  }
0xc8: {  	[hbm4b:s8+s3] =	stream.linear.scatter [tilespmem:s2], [sflag:$0x5], $0x80, $0x38;
	[tilespmem:$0x16C00] =	vst v63  }
0xc9: {  	v36 =	vmov s0;
	s0 =	simm.s32 $0x5;
	s2 =	sadd.s32 $0xE7B8, s29;
	s8 =	sadd.s32 $0x70, s30  }
0xca: {  	[hbm4b:s8+s3] =	stream.linear.scatter [tilespmem:s2], [sflag:$0x5], $0x80, $0x38;
	[tilespmem:$0x16C00] =	vst v63  }
0xcb: {  	v39 =	vmov s0;
	v36 =	vshrl.u32 v36, $0x3;
	s8 =	simm.s32 $0x0  }
0xcc: {  	v53 =	vshll.u32 v36, v1;
	v55 =	vshrl.u32 v39, $0x3;
	s2 =	simm.s32 $0x1;
	v33 =	vmov s8  }
0xcd: {  	v36 =	vshll.u32 v55, v1;
	s8 =	simm.s32 $0x2;
	v34 =	vmov s2;
	s2 =	simm.s32 $0x4;
	v33 =	vshrl.u32 v33, $0x3  }
0xce: {  	v35 =	vmov s8;
	s8 =	simm.s32 $0x7;
	v37 =	vmov s2;
	v34 =	vshrl.u32 v34, $0x3  }
0xcf: {  	_ =	swait.ge [sflag:s15], $0x2000;
	v38 =	vmov s8;
	v33 =	vshll.u32 v33, v1;
	v35 =	vshrl.u32 v35, $0x3  }
0xd0: {  	[sflag:s15] =	ssyncset.done $0x0;
	v34 =	vshll.u32 v34, v1;
	v38 =	vshrl.u32 v38, $0x3;
	v33 =	vbroadcast v33, $0x0  }
0xd1: {  	s29 =	simm.s32 $0x8500;
	s8 =	simm.s32 $0x6;
	[sflag:s15] =	ssyncadd.s32 $0xFFFFE000;
	v37 =	vshrl.u32 v37, $0x3;
	v45 =	vbroadcast v34, $0x0;
	v38 =	vshll.u32 v38, v1  }
0xd2: {  	v40 =	vmov s8;
	v43 =	vld [tilespmem:s29+$0xFFFFFF00];
	v38 =	vbroadcast v38, $0x0;
	v44 =	vadd.s32 v0, v33  }
0xd3: {  	v52 =	vshll.u32 v35, v1;
	v46 =	vld [tilespmem:s29+$0xFFFFFF40];
	v35 =	vbroadcast v53, $0x0;
	v47 =	vadd.s32 v5, v45  }
0xd4: {  	v41 =	vld [tilespmem:s29+$0xC0];
	v54 =	vshll.u32 v37, v1;
	v37 =	vbroadcast v36, $0x0;
	v42 =	vadd.s32 v29, v38  }
0xd5: {  	v39 =	vld [tilespmem:s29+$0xFFFFFFC0];
	v52 =	vbroadcast v52, $0x0;
	v40 =	vshrl.u32 v40, $0x3;
	v50 =	vadd.s32 v13, v35  }
0xd6: {  	v59 =	vld [tilespmem:s29+$0x40];
	v34 =	vbroadcast v54, $0x0;
	v56 =	vshll.u32 v40, v1;
	v60 =	vadd.s32 v21, v37  }
0xd7: {  	v48 =	vld [tilespmem:s29+$0xFFFFFF80];
	v49 =	vadd.s32 v9, v52;
	v36 =	vbroadcast v56, $0x0;
	[tilespmem:v44+s16+$0x0] =	vst.idx.msk $0xffff, v43  }
0xd8: {  	v51 =	vld [tilespmem:s29+$0x0];
	v53 =	vadd.s32 v17, v34;
	[tilespmem:v47+s16+$0x0] =	vst.idx.msk $0xffff, v46  }
0xd9: {  	v61 =	vld [tilespmem:s29+$0x80];
	v62 =	vadd.s32 v25, v36;
	[tilespmem:v42+s16+$0x0] =	vst.idx.msk $0xffff, v41  }
0xda: {  	v58 =	vadd.s32 v30, v38;
	[tilespmem:v50+s16+$0x0] =	vst.idx.msk $0xffff, v39;
	v57 =	vld [tilespmem:s29+$0xD0]  }
0xdb: {  	v63 =	vadd.s32 v6, v45;
	[tilespmem:v60+s16+$0x0] =	vst.idx.msk $0xffff, v59;
	v47 =	vld [tilespmem:s29+$0xFFFFFF50]  }
0xdc: {  	v56 =	vadd.s32 v14, v35;
	[tilespmem:v49+s16+$0x0] =	vst.idx.msk $0xffff, v48;
	v50 =	vld [tilespmem:s29+$0xFFFFFFD0]  }
0xdd: {  	v46 =	vadd.s32 v22, v37;
	[tilespmem:v53+s16+$0x0] =	vst.idx.msk $0xffff, v51;
	v44 =	vld [tilespmem:s29+$0x50]  }
0xde: {  	v55 =	vadd.s32 v10, v52;
	v54 =	vld [tilespmem:s29+$0xFFFFFF90];
	[tilespmem:v62+s16+$0x0] =	vst.idx.msk $0xffff, v61  }
0xdf: {  	v59 =	vadd.s32 v18, v34;
	[tilespmem:v58+s16+$0x0] =	vst.idx.msk $0xffff, v57;
	v58 =	vld [tilespmem:s29+$0x10]  }
0xe0: {  	[tilespmem:v63+s16+$0x0] =	vst.idx.msk $0xffff, v47;
	v57 =	vadd.s32 v31, v38;
	v40 =	vld [tilespmem:s29+$0xE0]  }
0xe1: {  	v61 =	vld [tilespmem:s29+$0xFFFFFF10];
	v62 =	vadd.s32 v2, v33;
	[tilespmem:v56+s16+$0x0] =	vst.idx.msk $0xffff, v50  }
0xe2: {  	v60 =	vadd.s32 v26, v36;
	v63 =	vld [tilespmem:s29+$0x90];
	[tilespmem:v46+s16+$0x0] =	vst.idx.msk $0xffff, v44  }
0xe3: {  	v51 =	vadd.s32 v7, v45;
	[tilespmem:v55+s16+$0x0] =	vst.idx.msk $0xffff, v54;
	v50 =	vld [tilespmem:s29+$0xFFFFFF60]  }
0xe4: {  	v56 =	vadd.s32 v11, v52;
	v55 =	vld [tilespmem:s29+$0xFFFFFFA0];
	[tilespmem:v59+s16+$0x0] =	vst.idx.msk $0xffff, v58  }
0xe5: {  	v58 =	vadd.s32 v15, v35;
	[tilespmem:v57+s16+$0x0] =	vst.idx.msk $0xffff, v40;
	v57 =	vld [tilespmem:s29+$0xFFFFFFE0]  }
0xe6: {  	v38 =	vadd.s32 v32, v38;
	[tilespmem:v62+s16+$0x0] =	vst.idx.msk $0xffff, v61;
	v54 =	vld [tilespmem:s29+$0xF0]  }
0xe7: {  	[tilespmem:v60+s16+$0x0] =	vst.idx.msk $0xffff, v63;
	v60 =	vadd.s32 v19, v34;
	v59 =	vld [tilespmem:s29+$0x20]  }
0xe8: {  	s2 =	simm.s32 $0x8;
	s8 =	simm.s32 $0x9;
	v43 =	vadd.s32 v27, v36;
	v41 =	vadd.s32 v23, v37;
	[tilespmem:v51+s16+$0x0] =	vst.idx.msk $0xffff, v50;
	v40 =	vld [tilespmem:s29+$0x60]  }
0xe9: {  	v53 =	vmov s8;
	s8 =	simm.s32 $0xB;
	v48 =	vadd.s32 v3, v33;
	v63 =	vmov s2;
	v42 =	vld [tilespmem:s29+$0xA0];
	[tilespmem:v56+s16+$0x0] =	vst.idx.msk $0xffff, v55  }
0xea: {  	v44 =	vmov s8;
	s8 =	simm.s32 $0xD;
	v52 =	vadd.s32 v12, v52;
	v46 =	vld [tilespmem:s29+$0xFFFFFF20];
	s2 =	simm.s32 $0xA;
	v39 =	vshrl.u32 v63, $0x3;
	[tilespmem:v58+s16+$0x0] =	vst.idx.msk $0xffff, v57  }
0xeb: {  	v51 =	vadd.s32 v8, v45;
	v49 =	vld [tilespmem:s29+$0xFFFFFF70];
	[tilespmem:v38+s16+$0x0] =	vst.idx.msk $0xffff, v54;
	v54 =	vmov s2;
	s2 =	simm.s32 $0xC;
	v38 =	vmov s8;
	s8 =	simm.s32 $0xE  }
0xec: {  	s31 =	simm.s32 $0xF;
	s30 =	simm.s32 $0x10;
	v45 =	vshll.u32 v39, v1;
	v50 =	vld [tilespmem:s29+$0xFFFFFFB0];
	[tilespmem:v60+s16+$0x0] =	vst.idx.msk $0xffff, v59;
	v47 =	vmov s2;
	v39 =	vmov s8  }
.LBB2_7:
0xed: {  	p0 =	slt.u32 s30, $0x78;
	v53 =	vshrl.u32 v53, $0x3;
	v55 =	vmov s31;
	v56 =	vld [tilespmem:s29+$0xFFFFFFF0];
	v35 =	vadd.s32 v16, v35;
	[tilespmem:v41+s16+$0x0] =	vst.idx.msk $0xffff, v40  }
0xee: {  	v40 =	vshrl.u32 v54, $0x3;
	v34 =	vadd.s32 v20, v34;
	v41 =	vshrl.u32 v55, $0x3;
	v54 =	vld [tilespmem:s29+$0x30];
	[tilespmem:v43+s16+$0x0] =	vst.idx.msk $0xffff, v42  }
0xef: {  	v37 =	vadd.s32 v24, v37;
	v42 =	vshrl.u32 v44, $0x3;
	v41 =	vshll.u32 v41, v1;
	[tilespmem:v48+s16+$0x0] =	vst.idx.msk $0xffff, v46;
	v43 =	vld [tilespmem:s29+$0x70]  }
0xf0: {  	v36 =	vadd.s32 v28, v36;
	v44 =	vshrl.u32 v47, $0x3;
	v41 =	vbroadcast v41, $0x0;
	[tilespmem:v51+s16+$0x0] =	vst.idx.msk $0xffff, v49;
	v46 =	vld [tilespmem:s29+$0xB0]  }
0xf1: {  	v47 =	vshll.u32 v53, v1;
	v49 =	vadd.s32 v4, v33;
	v33 =	vbroadcast v45, $0x0;
	v48 =	vld [tilespmem:s29+$0xFFFFFF30];
	[tilespmem:v52+s16+$0x0] =	vst.idx.msk $0xffff, v50;
	s29 =	sadd.s32 $0x200, s29  }
0xf2: {  	v40 =	vshll.u32 v40, v1;
	v45 =	vbroadcast v47, $0x0;
	v47 =	vld [tilespmem:s29+$0xC0];
	v50 =	vadd.s32 v29, v41;
	[tilespmem:v35+s16+$0x0] =	vst.idx.msk $0xffff, v56  }
0xf3: {  	v55 =	vbroadcast v40, $0x0;
	v52 =	vadd.s32 v0, v33;
	v35 =	vshll.u32 v42, v1;
	v51 =	vld [tilespmem:s29+$0xFFFFFF00];
	[tilespmem:v34+s16+$0x0] =	vst.idx.msk $0xffff, v54  }
0xf4: {  	v42 =	vadd.s32 v5, v45;
	v35 =	vbroadcast v35, $0x0;
	v34 =	vshll.u32 v44, v1;
	v40 =	vld [tilespmem:s29+$0xFFFFFF40];
	[tilespmem:v37+s16+$0x0] =	vst.idx.msk $0xffff, v43  }
0xf5: {  	v44 =	vadd.s32 v9, v55;
	v34 =	vbroadcast v34, $0x0;
	v37 =	vshrl.u32 v38, $0x3;
	v43 =	vld [tilespmem:s29+$0xFFFFFF80];
	[tilespmem:v36+s16+$0x0] =	vst.idx.msk $0xffff, v46  }
0xf6: {  	v39 =	vshrl.u32 v39, $0x3;
	v46 =	vadd.s32 v13, v35;
	v36 =	vshll.u32 v37, v1;
	v38 =	vld [tilespmem:s29+$0xFFFFFFC0];
	[tilespmem:v49+s16+$0x0] =	vst.idx.msk $0xffff, v48  }
0xf7: {  	v49 =	vadd.s32 v17, v34;
	v37 =	vbroadcast v36, $0x0;
	v36 =	vshll.u32 v39, v1;
	v48 =	vld [tilespmem:s29+$0x0];
	[tilespmem:v50+s16+$0x0] =	vst.idx.msk $0xffff, v47  }
0xf8: {  	v36 =	vbroadcast v36, $0x0;
	v47 =	vadd.s32 v30, v41;
	[tilespmem:v52+s16+$0x0] =	vst.idx.msk $0xffff, v51;
	v39 =	vld [tilespmem:s29+$0xD0]  }
0xf9: {  	[tilespmem:v42+s16+$0x0] =	vst.idx.msk $0xffff, v40;
	v40 =	vld [tilespmem:s29+$0x40];
	v42 =	vadd.s32 v21, v37  }
0xfa: {  	[tilespmem:v44+s16+$0x0] =	vst.idx.msk $0xffff, v43;
	v43 =	vld [tilespmem:s29+$0x80];
	v44 =	vadd.s32 v25, v36  }
0xfb: {  	v51 =	vadd.s32 v6, v45;
	v50 =	vld [tilespmem:s29+$0xFFFFFF50];
	[tilespmem:v46+s16+$0x0] =	vst.idx.msk $0xffff, v38  }
0xfc: {  	v46 =	vadd.s32 v10, v55;
	v38 =	vld [tilespmem:s29+$0xFFFFFF90];
	[tilespmem:v49+s16+$0x0] =	vst.idx.msk $0xffff, v48  }
0xfd: {  	v49 =	vadd.s32 v14, v35;
	v48 =	vld [tilespmem:s29+$0xFFFFFFD0];
	[tilespmem:v47+s16+$0x0] =	vst.idx.msk $0xffff, v39  }
0xfe: {  	[tilespmem:v42+s16+$0x0] =	vst.idx.msk $0xffff, v40;
	v39 =	vld [tilespmem:s29+$0xE0];
	v40 =	vadd.s32 v31, v41  }
0xff: {  	v47 =	vadd.s32 v18, v34;
	v42 =	vld [tilespmem:s29+$0x10];
	[tilespmem:v44+s16+$0x0] =	vst.idx.msk $0xffff, v43  }
0x100: {  	v44 =	vadd.s32 v22, v37;
	[tilespmem:v51+s16+$0x0] =	vst.idx.msk $0xffff, v50;
	v43 =	vld [tilespmem:s29+$0x50]  }
0x101: {  	[tilespmem:v46+s16+$0x0] =	vst.idx.msk $0xffff, v38;
	v38 =	vld [tilespmem:s29+$0x90];
	v46 =	vadd.s32 v26, v36  }
0x102: {  	v51 =	vadd.s32 v2, v33;
	v50 =	vld [tilespmem:s29+$0xFFFFFF10];
	[tilespmem:v49+s16+$0x0] =	vst.idx.msk $0xffff, v48  }
0x103: {  	v49 =	vadd.s32 v7, v45;
	v48 =	vld [tilespmem:s29+$0xFFFFFF60];
	[tilespmem:v40+s16+$0x0] =	vst.idx.msk $0xffff, v39  }
0x104: {  	[tilespmem:v47+s16+$0x0] =	vst.idx.msk $0xffff, v42;
	v39 =	vld [tilespmem:s29+$0xF0];
	v47 =	vadd.s32 v32, v41  }
0x105: {  	v56 =	vadd.s32 v11, v55;
	v52 =	vld [tilespmem:s29+$0xFFFFFFA0];
	[tilespmem:v44+s16+$0x0] =	vst.idx.msk $0xffff, v43  }
0x106: {  	v58 =	vadd.s32 v15, v35;
	v57 =	vld [tilespmem:s29+$0xFFFFFFE0];
	[tilespmem:v46+s16+$0x0] =	vst.idx.msk $0xffff, v38  }
0x107: {  	v60 =	vadd.s32 v19, v34;
	[tilespmem:v51+s16+$0x0] =	vst.idx.msk $0xffff, v50;
	v59 =	vld [tilespmem:s29+$0x20]  }
.Ltmp2:
0x108: {  	s0 =	sadd.s32 $0x1, s30;
	v41 =	vadd.s32 v23, v37;
	v38 =	vmov s30;
	[tilespmem:v49+s16+$0x0] =	vst.idx.msk $0xffff, v48;
	v40 =	vld [tilespmem:s29+$0x60];
	(pc) =	sbr.rel @p0 .LBB2_7-.Ltmp2, $4  }
0x109: {  	s2 =	sadd.s32 $0x3, s30;
	v53 =	vmov s0;
	s0 =	sadd.s32 $0x2, s30;
	v43 =	vadd.s32 v27, v36;
	v50 =	vshrl.u32 v38, $0x3;
	v42 =	vld [tilespmem:s29+$0xA0];
	[tilespmem:v47+s16+$0x0] =	vst.idx.msk $0xffff, v39  }
0x10a: {  	v54 =	vmov s0;
	s0 =	sadd.s32 $0x4, s30;
	v44 =	vmov s2;
	s2 =	sadd.s32 $0x5, s30;
	v48 =	vadd.s32 v3, v33;
	v46 =	vld [tilespmem:s29+$0xFFFFFF20];
	[tilespmem:v56+s16+$0x0] =	vst.idx.msk $0xffff, v52  }
0x10b: {  	v38 =	vmov s2;
	v51 =	vadd.s32 v8, v45;
	v47 =	vmov s0;
	s0 =	sadd.s32 $0x6, s30;
	v49 =	vld [tilespmem:s29+$0xFFFFFF70];
	[tilespmem:v58+s16+$0x0] =	vst.idx.msk $0xffff, v57  }
0x10c: {  	s31 =	sadd.s32 $0x7, s30;
	v45 =	vshll.u32 v50, v1;
	s30 =	sadd.s32 $0x8, s30;
	v39 =	vmov s0;
	v52 =	vadd.s32 v12, v55;
	v50 =	vld [tilespmem:s29+$0xFFFFFFB0];
	[tilespmem:v60+s16+$0x0] =	vst.idx.msk $0xffff, v59  }
0x10d: {  	_ =	sdelay $0x2  }
0x10e: {  	v53 =	vshrl.u32 v53, $0x3  }
0x10f: {  	v55 =	vmov s31;
	v56 =	vld [tilespmem:s29+$0xFFFFFFF0];
	v35 =	vadd.s32 v16, v35;
	[tilespmem:v41+s16+$0x0] =	vst.idx.msk $0xffff, v40;
	v57 =	vshrl.u32 v54, $0x3  }
0x110: {  	v59 =	vld [tilespmem:s29+$0x30];
	v34 =	vadd.s32 v20, v34;
	v60 =	vshrl.u32 v44, $0x3;
	v58 =	vshrl.u32 v55, $0x3;
	[tilespmem:v43+s16+$0x0] =	vst.idx.msk $0xffff, v42  }
0x111: {  	v37 =	vadd.s32 v24, v37;
	v62 =	vshrl.u32 v47, $0x3;
	v61 =	vld [tilespmem:s29+$0x70];
	v41 =	vshll.u32 v58, v1;
	[tilespmem:v48+s16+$0x0] =	vst.idx.msk $0xffff, v46  }
0x112: {  	v36 =	vadd.s32 v28, v36;
	v45 =	vbroadcast v45, $0x0;
	v63 =	vld [tilespmem:s29+$0xB0];
	v41 =	vbroadcast v41, $0x0;
	[tilespmem:v51+s16+$0x0] =	vst.idx.msk $0xffff, v49  }
0x113: {  	v33 =	vadd.s32 v4, v33;
	v38 =	vshrl.u32 v38, $0x3;
	v55 =	vshll.u32 v53, v1;
	v48 =	vld [tilespmem:s29+$0xFFFFFF30];
	s29 =	sadd.s32 $0x200, s29;
	[tilespmem:v52+s16+$0x0] =	vst.idx.msk $0xffff, v50  }
0x114: {  	v40 =	vshll.u32 v57, v1;
	v47 =	vbroadcast v55, $0x0;
	v49 =	vld [tilespmem:s29+$0xC0];
	v50 =	vadd.s32 v29, v41;
	[tilespmem:v35+s16+$0x0] =	vst.idx.msk $0xffff, v56  }
0x115: {  	v42 =	vshll.u32 v60, v1;
	v40 =	vbroadcast v40, $0x0;
	v35 =	vld [tilespmem:s29+$0xFFFFFF00];
	v56 =	vadd.s32 v0, v45;
	[tilespmem:v34+s16+$0x0] =	vst.idx.msk $0xffff, v59  }
0x116: {  	v44 =	vshll.u32 v62, v1;
	v42 =	vbroadcast v42, $0x0;
	v57 =	vld [tilespmem:s29+$0xFFFFFF40];
	v58 =	vadd.s32 v5, v47;
	[tilespmem:v37+s16+$0x0] =	vst.idx.msk $0xffff, v61  }
0x117: {  	v38 =	vshll.u32 v38, v1;
	v44 =	vbroadcast v44, $0x0;
	v60 =	vadd.s32 v9, v40;
	v59 =	vld [tilespmem:s29+$0xFFFFFF80];
	[tilespmem:v36+s16+$0x0] =	vst.idx.msk $0xffff, v63  }
0x118: {  	v38 =	vbroadcast v38, $0x0;
	v62 =	vadd.s32 v13, v42;
	v61 =	vld [tilespmem:s29+$0xFFFFFFC0];
	[tilespmem:v33+s16+$0x0] =	vst.idx.msk $0xffff, v48  }
0x119: {  	v39 =	vshrl.u32 v39, $0x3;
	v63 =	vadd.s32 v17, v44;
	v33 =	vld [tilespmem:s29+$0x0];
	[tilespmem:v50+s16+$0x0] =	vst.idx.msk $0xffff, v49  }
0x11a: {  	v39 =	vshll.u32 v39, v1;
	v34 =	vld [tilespmem:s29+$0x40];
	[tilespmem:v56+s16+$0x0] =	vst.idx.msk $0xffff, v35;
	v56 =	vadd.s32 v21, v38  }
0x11b: {  	[tilespmem:v58+s16+$0x0] =	vst.idx.msk $0xffff, v57;
	v35 =	vbroadcast v39, $0x0;
	v49 =	vadd.s32 v30, v41;
	v39 =	vld [tilespmem:s29+$0xD0]  }
0x11c: {  	[tilespmem:v60+s16+$0x0] =	vst.idx.msk $0xffff, v59;
	v59 =	vld [tilespmem:s29+$0xFFFFFF50];
	v60 =	vadd.s32 v6, v47  }
0x11d: {  	v57 =	vld [tilespmem:s29+$0x80];
	[tilespmem:v62+s16+$0x0] =	vst.idx.msk $0xffff, v61;
	v58 =	vadd.s32 v25, v35  }
0x11e: {  	v61 =	vld [tilespmem:s29+$0xFFFFFF90];
	v62 =	vadd.s32 v10, v40;
	[tilespmem:v63+s16+$0x0] =	vst.idx.msk $0xffff, v33  }
0x11f: {  	v33 =	vld [tilespmem:s29+$0xFFFFFFD0];
	v63 =	vadd.s32 v14, v42;
	[tilespmem:v56+s16+$0x0] =	vst.idx.msk $0xffff, v34  }
0x120: {  	v56 =	vadd.s32 v18, v44;
	[tilespmem:v49+s16+$0x0] =	vst.idx.msk $0xffff, v39;
	v49 =	vld [tilespmem:s29+$0x10]  }
0x121: {  	[tilespmem:v60+s16+$0x0] =	vst.idx.msk $0xffff, v59;
	v39 =	vadd.s32 v31, v41;
	v34 =	vld [tilespmem:s29+$0xE0]  }
0x122: {  	[tilespmem:v58+s16+$0x0] =	vst.idx.msk $0xffff, v57;
	v57 =	vld [tilespmem:s29+$0x50];
	v58 =	vadd.s32 v22, v38  }
0x123: {  	[tilespmem:v62+s16+$0x0] =	vst.idx.msk $0xffff, v61;
	v61 =	vld [tilespmem:s29+$0xFFFFFF10];
	v62 =	vadd.s32 v2, v45  }
0x124: {  	v60 =	vadd.s32 v26, v35;
	v59 =	vld [tilespmem:s29+$0x90];
	[tilespmem:v63+s16+$0x0] =	vst.idx.msk $0xffff, v33  }
0x125: {  	v55 =	vadd.s32 v11, v40;
	v54 =	vadd.s32 v32, v41;
	v41 =	vld [tilespmem:s29+$0xFFFFFFA0];
	[tilespmem:v56+s16+$0x0] =	vst.idx.msk $0xffff, v49  }
0x126: {  	v53 =	vadd.s32 v7, v47;
	v63 =	vld [tilespmem:s29+$0xFFFFFF60];
	[tilespmem:v39+s16+$0x0] =	vst.idx.msk $0xffff, v34  }
0x127: {  	v56 =	vld [tilespmem:s29+$0xFFFFFFE0];
	[tilespmem:v58+s16+$0x0] =	vst.idx.msk $0xffff, v57;
	v57 =	vadd.s32 v15, v42  }
0x128: {  	[tilespmem:v62+s16+$0x0] =	vst.idx.msk $0xffff, v61;
	v34 =	vld [tilespmem:s29+$0xF0]  }
0x129: {  	v58 =	vld [tilespmem:s29+$0x20];
	[tilespmem:v60+s16+$0x0] =	vst.idx.msk $0xffff, v59;
	v59 =	vadd.s32 v19, v44  }
0x12a: {  	v61 =	vadd.s32 v23, v38;
	[tilespmem:v55+s16+$0x0] =	vst.idx.msk $0xffff, v41;
	v60 =	vld [tilespmem:s29+$0x60]  }
0x12b: {  	[tilespmem:v53+s16+$0x0] =	vst.idx.msk $0xffff, v63;
	v63 =	vadd.s32 v27, v35;
	v62 =	vld [tilespmem:s29+$0xA0]  }
0x12c: {  	v47 =	vadd.s32 v8, v47;
	v55 =	vld [tilespmem:s29+$0xFFFFFF70];
	[tilespmem:v57+s16+$0x0] =	vst.idx.msk $0xffff, v56  }
0x12d: {  	v53 =	vld [tilespmem:s29+$0xFFFFFF20];
	[tilespmem:v54+s16+$0x0] =	vst.idx.msk $0xffff, v34;
	v54 =	vadd.s32 v3, v45  }
0x12e: {  	v40 =	vadd.s32 v12, v40;
	v56 =	vld [tilespmem:s29+$0xFFFFFFB0];
	[tilespmem:v59+s16+$0x0] =	vst.idx.msk $0xffff, v58  }
0x12f: {  	v42 =	vadd.s32 v16, v42;
	v57 =	vld [tilespmem:s29+$0xFFFFFFF0];
	[tilespmem:v61+s16+$0x0] =	vst.idx.msk $0xffff, v60  }
0x130: {  	v59 =	vadd.s32 v20, v44;
	v58 =	vld [tilespmem:s29+$0x30];
	[tilespmem:v63+s16+$0x0] =	vst.idx.msk $0xffff, v62  }
0x131: {  	v38 =	vadd.s32 v24, v38;
	v60 =	vld [tilespmem:s29+$0x70];
	[tilespmem:v47+s16+$0x0] =	vst.idx.msk $0xffff, v55  }
0x132: {  	v35 =	vadd.s32 v28, v35;
	v61 =	vld [tilespmem:s29+$0xB0];
	[tilespmem:v54+s16+$0x0] =	vst.idx.msk $0xffff, v53  }
0x133: {  	v63 =	vadd.s32 v4, v45;
	[tilespmem:v40+s16+$0x0] =	vst.idx.msk $0xffff, v56;
	v62 =	vld [tilespmem:s29+$0xFFFFFF30]  }
0x134: {  	[tilespmem:v42+s16+$0x0] =	vst.idx.msk $0xffff, v57  }
0x135: {  	[tilespmem:v59+s16+$0x0] =	vst.idx.msk $0xffff, v58  }
0x136: {  	[tilespmem:v38+s16+$0x0] =	vst.idx.msk $0xffff, v60  }
0x137: {  	s28 =	sadd.s32 s28, s1;
	[tilespmem:v35+s16+$0x0] =	vst.idx.msk $0xffff, v61  }
0x138: {  	s0 =	simm.s32 $0x10600;
	s8 =	sadd.s32 $0x80, s28;
	[tilespmem:v63+s16+$0x0] =	vst.idx.msk $0xffff, v62  }
0x139: {  	[hbm4b:s8+s3] =	stream.linear.scatter [tilespmem:s0], [sflag:$0x6], $0x80, $0x38;
	[tilespmem:$0x16C00] =	vst v63  }
0x13a: {  	s2 =	sadd.s32 $0x10, s8;
	s0 =	simm.s32 $0x10688  }
0x13b: {  	[hbm4b:s2+s3] =	stream.linear.scatter [tilespmem:s0], [sflag:$0x6], $0x80, $0x38;
	[tilespmem:$0x16C00] =	vst v63  }
0x13c: {  	s0 =	simm.s32 $0x10710;
	s2 =	sadd.s32 $0x20, s8  }
0x13d: {  	[hbm4b:s2+s3] =	stream.linear.scatter [tilespmem:s0], [sflag:$0x6], $0x80, $0x38;
	[tilespmem:$0x16C00] =	vst v63  }
0x13e: {  	s0 =	simm.s32 $0x10798;
	s2 =	sadd.s32 $0x30, s8  }
0x13f: {  	[hbm4b:s2+s3] =	stream.linear.scatter [tilespmem:s0], [sflag:$0x6], $0x80, $0x38;
	[tilespmem:$0x16C00] =	vst v63  }
0x140: {  	s0 =	simm.s32 $0x10820;
	s2 =	sadd.s32 $0x40, s8  }
0x141: {  	[hbm4b:s2+s3] =	stream.linear.scatter [tilespmem:s0], [sflag:$0x6], $0x80, $0x38;
	[tilespmem:$0x16C00] =	vst v63  }
0x142: {  	s31 =	simm.s32 $0x2200;
	s0 =	simm.s32 $0x108A8;
	s2 =	sadd.s32 $0x50, s8  }
0x143: {  	[hbm4b:s2+s3] =	stream.linear.scatter [tilespmem:s0], [sflag:$0x6], $0x80, $0x38;
	[tilespmem:$0x16C00] =	vst v63  }
0x144: {  	s30 =	sadd.s32 $0x4000, s8;
	s0 =	simm.s32 $0x10930;
	s2 =	sadd.s32 $0x60, s8  }
0x145: {  	[hbm4b:s2+s3] =	stream.linear.scatter [tilespmem:s0], [sflag:$0x6], $0x80, $0x38;
	[tilespmem:$0x16C00] =	vst v63  }
0x146: {  	s29 =	simm.s32 $0x440;
	s0 =	simm.s32 $0x109B8;
	s2 =	sadd.s32 $0x70, s8  }
.LBB2_9:
0x147: {  	[hbm4b:s2+s3] =	stream.linear.scatter [tilespmem:s0], [sflag:$0x6], $0x80, $0x38;
	[tilespmem:$0x16C00] =	vst v63  }
0x148: {  	s0 =	smov.u32 s29;
	s2 =	smov.u32 s31  }
0x149: {  	s8 =	sadd.s32 $0x1100, s31;
	s29 =	sshra.s32 s2, $0x2;
	s2 =	sadd.s32 $0x10600, s0  }
0x14a: {  	[hbm4b:s30+s3] =	stream.linear.scatter [tilespmem:s2], [sflag:$0x6], $0x80, $0x38;
	[tilespmem:$0x16C00] =	vst v63  }
0x14b: {  	p0 =	sne.s32 s31, $0x7700;
	s31 =	sadd.s32 $0x10, s30;
	s2 =	sadd.s32 $0x10688, s0  }
0x14c: {  	[hbm4b:s31+s3] =	stream.linear.scatter [tilespmem:s2], [sflag:$0x6], $0x80, $0x38;
	[tilespmem:$0x16C00] =	vst v63  }
0x14d: {  	s2 =	sadd.s32 $0x10710, s0;
	s31 =	sadd.s32 $0x20, s30  }
0x14e: {  	[hbm4b:s31+s3] =	stream.linear.scatter [tilespmem:s2], [sflag:$0x6], $0x80, $0x38;
	[tilespmem:$0x16C00] =	vst v63  }
0x14f: {  	s2 =	sadd.s32 $0x10798, s0;
	s31 =	sadd.s32 $0x30, s30  }
0x150: {  	[hbm4b:s31+s3] =	stream.linear.scatter [tilespmem:s2], [sflag:$0x6], $0x80, $0x38;
	[tilespmem:$0x16C00] =	vst v63  }
0x151: {  	s2 =	sadd.s32 $0x10820, s0;
	s31 =	sadd.s32 $0x40, s30  }
0x152: {  	[hbm4b:s31+s3] =	stream.linear.scatter [tilespmem:s2], [sflag:$0x6], $0x80, $0x38;
	[tilespmem:$0x16C00] =	vst v63  }
.Ltmp3:
0x153: {  	s2 =	sadd.s32 $0x108A8, s0;
	s31 =	sadd.s32 $0x50, s30;
	(pc) =	sbr.rel @p0 .LBB2_9-.Ltmp3, $4  }
0x154: {  	[hbm4b:s31+s3] =	stream.linear.scatter [tilespmem:s2], [sflag:$0x6], $0x80, $0x38;
	[tilespmem:$0x16C00] =	vst v63  }
0x155: {  	s2 =	sadd.s32 $0x10930, s0;
	s31 =	sadd.s32 $0x60, s30;
	s0 =	sadd.s32 $0x109B8, s0  }
0x156: {  	[hbm4b:s31+s3] =	stream.linear.scatter [tilespmem:s2], [sflag:$0x6], $0x80, $0x38;
	[tilespmem:$0x16C00] =	vst v63  }
0x157: {  	s2 =	sadd.s32 $0x70, s30;
	s30 =	sadd.s32 $0x4000, s30;
	s31 =	smov.u32 s8  }
0x158: {  	[hbm4b:s2+s3] =	stream.linear.scatter [tilespmem:s0], [sflag:$0x6], $0x80, $0x38;
	[tilespmem:$0x16C00] =	vst v63  }
0x159: {  	s8 =	sadd.s32 $0x10600, s29  }
0x15a: {  	[hbm4b:s30+s3] =	stream.linear.scatter [tilespmem:s8], [sflag:$0x6], $0x80, $0x38;
	[tilespmem:$0x16C00] =	vst v63  }
0x15b: {  	s2 =	sadd.s32 $0x10688, s29;
	s8 =	sadd.s32 $0x10, s30  }
0x15c: {  	[hbm4b:s8+s3] =	stream.linear.scatter [tilespmem:s2], [sflag:$0x6], $0x80, $0x38;
	[tilespmem:$0x16C00] =	vst v63  }
0x15d: {  	s2 =	sadd.s32 $0x10710, s29;
	s8 =	sadd.s32 $0x20, s30  }
0x15e: {  	[hbm4b:s8+s3] =	stream.linear.scatter [tilespmem:s2], [sflag:$0x6], $0x80, $0x38;
	[tilespmem:$0x16C00] =	vst v63  }
0x15f: {  	s2 =	sadd.s32 $0x10798, s29;
	s8 =	sadd.s32 $0x30, s30  }
0x160: {  	[hbm4b:s8+s3] =	stream.linear.scatter [tilespmem:s2], [sflag:$0x6], $0x80, $0x38;
	[tilespmem:$0x16C00] =	vst v63  }
0x161: {  	s2 =	sadd.s32 $0x10820, s29;
	s8 =	sadd.s32 $0x40, s30  }
0x162: {  	[hbm4b:s8+s3] =	stream.linear.scatter [tilespmem:s2], [sflag:$0x6], $0x80, $0x38;
	[tilespmem:$0x16C00] =	vst v63  }
0x163: {  	s2 =	sadd.s32 $0x108A8, s29;
	s8 =	sadd.s32 $0x50, s30  }
0x164: {  	[hbm4b:s8+s3] =	stream.linear.scatter [tilespmem:s2], [sflag:$0x6], $0x80, $0x38;
	[tilespmem:$0x16C00] =	vst v63  }
0x165: {  	s0 =	simm.s32 $0x3;
	s2 =	sadd.s32 $0x10930, s29;
	s8 =	sadd.s32 $0x60, s30  }
0x166: {  	[hbm4b:s8+s3] =	stream.linear.scatter [tilespmem:s2], [sflag:$0x6], $0x80, $0x38;
	[tilespmem:$0x16C00] =	vst v63  }
0x167: {  	v36 =	vmov s0;
	s0 =	simm.s32 $0x5;
	s2 =	sadd.s32 $0x109B8, s29;
	s8 =	sadd.s32 $0x70, s30  }
0x168: {  	[hbm4b:s8+s3] =	stream.linear.scatter [tilespmem:s2], [sflag:$0x6], $0x80, $0x38;
	[tilespmem:$0x16C00] =	vst v63  }
0x169: {  	v39 =	vmov s0;
	v36 =	vshrl.u32 v36, $0x3;
	s8 =	simm.s32 $0x0  }
0x16a: {  	v53 =	vshll.u32 v36, v1;
	v55 =	vshrl.u32 v39, $0x3;
	s2 =	simm.s32 $0x1;
	v33 =	vmov s8  }
0x16b: {  	v36 =	vshll.u32 v55, v1;
	s8 =	simm.s32 $0x2;
	v34 =	vmov s2;
	s2 =	simm.s32 $0x4;
	v33 =	vshrl.u32 v33, $0x3  }
0x16c: {  	v35 =	vmov s8;
	s8 =	simm.s32 $0x7;
	v37 =	vmov s2;
	v34 =	vshrl.u32 v34, $0x3  }
0x16d: {  	_ =	swait.ge [sflag:s17], $0x2000;
	v38 =	vmov s8;
	v33 =	vshll.u32 v33, v1;
	v35 =	vshrl.u32 v35, $0x3  }
0x16e: {  	[sflag:s17] =	ssyncset.done $0x0;
	v34 =	vshll.u32 v34, v1;
	v38 =	vshrl.u32 v38, $0x3;
	v33 =	vbroadcast v33, $0x0  }
0x16f: {  	s29 =	simm.s32 $0xA500;
	s8 =	simm.s32 $0x6;
	[sflag:s17] =	ssyncadd.s32 $0xFFFFE000;
	v37 =	vshrl.u32 v37, $0x3;
	v45 =	vbroadcast v34, $0x0;
	v38 =	vshll.u32 v38, v1  }
0x170: {  	v40 =	vmov s8;
	v43 =	vld [tilespmem:s29+$0xFFFFFF00];
	v38 =	vbroadcast v38, $0x0;
	v44 =	vadd.s32 v0, v33  }
0x171: {  	v52 =	vshll.u32 v35, v1;
	v46 =	vld [tilespmem:s29+$0xFFFFFF40];
	v35 =	vbroadcast v53, $0x0;
	v47 =	vadd.s32 v5, v45  }
0x172: {  	v41 =	vld [tilespmem:s29+$0xC0];
	v54 =	vshll.u32 v37, v1;
	v37 =	vbroadcast v36, $0x0;
	v42 =	vadd.s32 v29, v38  }
0x173: {  	v39 =	vld [tilespmem:s29+$0xFFFFFFC0];
	v52 =	vbroadcast v52, $0x0;
	v40 =	vshrl.u32 v40, $0x3;
	v50 =	vadd.s32 v13, v35  }
0x174: {  	v59 =	vld [tilespmem:s29+$0x40];
	v34 =	vbroadcast v54, $0x0;
	v56 =	vshll.u32 v40, v1;
	v60 =	vadd.s32 v21, v37  }
0x175: {  	v48 =	vld [tilespmem:s29+$0xFFFFFF80];
	v49 =	vadd.s32 v9, v52;
	v36 =	vbroadcast v56, $0x0;
	[tilespmem:v44+s18+$0x0] =	vst.idx.msk $0xffff, v43  }
0x176: {  	v51 =	vld [tilespmem:s29+$0x0];
	v53 =	vadd.s32 v17, v34;
	[tilespmem:v47+s18+$0x0] =	vst.idx.msk $0xffff, v46  }
0x177: {  	v61 =	vld [tilespmem:s29+$0x80];
	v62 =	vadd.s32 v25, v36;
	[tilespmem:v42+s18+$0x0] =	vst.idx.msk $0xffff, v41  }
0x178: {  	v58 =	vadd.s32 v30, v38;
	[tilespmem:v50+s18+$0x0] =	vst.idx.msk $0xffff, v39;
	v57 =	vld [tilespmem:s29+$0xD0]  }
0x179: {  	v63 =	vadd.s32 v6, v45;
	[tilespmem:v60+s18+$0x0] =	vst.idx.msk $0xffff, v59;
	v47 =	vld [tilespmem:s29+$0xFFFFFF50]  }
0x17a: {  	v56 =	vadd.s32 v14, v35;
	[tilespmem:v49+s18+$0x0] =	vst.idx.msk $0xffff, v48;
	v50 =	vld [tilespmem:s29+$0xFFFFFFD0]  }
0x17b: {  	v46 =	vadd.s32 v22, v37;
	[tilespmem:v53+s18+$0x0] =	vst.idx.msk $0xffff, v51;
	v44 =	vld [tilespmem:s29+$0x50]  }
0x17c: {  	v55 =	vadd.s32 v10, v52;
	v54 =	vld [tilespmem:s29+$0xFFFFFF90];
	[tilespmem:v62+s18+$0x0] =	vst.idx.msk $0xffff, v61  }
0x17d: {  	v59 =	vadd.s32 v18, v34;
	[tilespmem:v58+s18+$0x0] =	vst.idx.msk $0xffff, v57;
	v58 =	vld [tilespmem:s29+$0x10]  }
0x17e: {  	[tilespmem:v63+s18+$0x0] =	vst.idx.msk $0xffff, v47;
	v57 =	vadd.s32 v31, v38;
	v40 =	vld [tilespmem:s29+$0xE0]  }
0x17f: {  	v61 =	vld [tilespmem:s29+$0xFFFFFF10];
	v62 =	vadd.s32 v2, v33;
	[tilespmem:v56+s18+$0x0] =	vst.idx.msk $0xffff, v50  }
0x180: {  	v60 =	vadd.s32 v26, v36;
	v63 =	vld [tilespmem:s29+$0x90];
	[tilespmem:v46+s18+$0x0] =	vst.idx.msk $0xffff, v44  }
0x181: {  	v51 =	vadd.s32 v7, v45;
	[tilespmem:v55+s18+$0x0] =	vst.idx.msk $0xffff, v54;
	v50 =	vld [tilespmem:s29+$0xFFFFFF60]  }
0x182: {  	v56 =	vadd.s32 v11, v52;
	v55 =	vld [tilespmem:s29+$0xFFFFFFA0];
	[tilespmem:v59+s18+$0x0] =	vst.idx.msk $0xffff, v58  }
0x183: {  	v58 =	vadd.s32 v15, v35;
	[tilespmem:v57+s18+$0x0] =	vst.idx.msk $0xffff, v40;
	v57 =	vld [tilespmem:s29+$0xFFFFFFE0]  }
0x184: {  	v38 =	vadd.s32 v32, v38;
	[tilespmem:v62+s18+$0x0] =	vst.idx.msk $0xffff, v61;
	v54 =	vld [tilespmem:s29+$0xF0]  }
0x185: {  	[tilespmem:v60+s18+$0x0] =	vst.idx.msk $0xffff, v63;
	v60 =	vadd.s32 v19, v34;
	v59 =	vld [tilespmem:s29+$0x20]  }
0x186: {  	s2 =	simm.s32 $0x8;
	s8 =	simm.s32 $0x9;
	v43 =	vadd.s32 v27, v36;
	v41 =	vadd.s32 v23, v37;
	[tilespmem:v51+s18+$0x0] =	vst.idx.msk $0xffff, v50;
	v40 =	vld [tilespmem:s29+$0x60]  }
0x187: {  	v53 =	vmov s8;
	s8 =	simm.s32 $0xB;
	v48 =	vadd.s32 v3, v33;
	v63 =	vmov s2;
	v42 =	vld [tilespmem:s29+$0xA0];
	[tilespmem:v56+s18+$0x0] =	vst.idx.msk $0xffff, v55  }
0x188: {  	v44 =	vmov s8;
	s8 =	simm.s32 $0xD;
	v52 =	vadd.s32 v12, v52;
	v46 =	vld [tilespmem:s29+$0xFFFFFF20];
	s2 =	simm.s32 $0xA;
	v39 =	vshrl.u32 v63, $0x3;
	[tilespmem:v58+s18+$0x0] =	vst.idx.msk $0xffff, v57  }
0x189: {  	v51 =	vadd.s32 v8, v45;
	v49 =	vld [tilespmem:s29+$0xFFFFFF70];
	[tilespmem:v38+s18+$0x0] =	vst.idx.msk $0xffff, v54;
	v54 =	vmov s2;
	s2 =	simm.s32 $0xC;
	v38 =	vmov s8;
	s8 =	simm.s32 $0xE  }
0x18a: {  	s31 =	simm.s32 $0xF;
	s30 =	simm.s32 $0x10;
	v45 =	vshll.u32 v39, v1;
	v50 =	vld [tilespmem:s29+$0xFFFFFFB0];
	[tilespmem:v60+s18+$0x0] =	vst.idx.msk $0xffff, v59;
	v47 =	vmov s2;
	v39 =	vmov s8  }
.LBB2_11:
0x18b: {  	p0 =	slt.u32 s30, $0x78;
	v53 =	vshrl.u32 v53, $0x3;
	v55 =	vmov s31;
	v56 =	vld [tilespmem:s29+$0xFFFFFFF0];
	v35 =	vadd.s32 v16, v35;
	[tilespmem:v41+s18+$0x0] =	vst.idx.msk $0xffff, v40  }
0x18c: {  	v40 =	vshrl.u32 v54, $0x3;
	v34 =	vadd.s32 v20, v34;
	v41 =	vshrl.u32 v55, $0x3;
	v54 =	vld [tilespmem:s29+$0x30];
	[tilespmem:v43+s18+$0x0] =	vst.idx.msk $0xffff, v42  }
0x18d: {  	v37 =	vadd.s32 v24, v37;
	v42 =	vshrl.u32 v44, $0x3;
	v41 =	vshll.u32 v41, v1;
	[tilespmem:v48+s18+$0x0] =	vst.idx.msk $0xffff, v46;
	v43 =	vld [tilespmem:s29+$0x70]  }
0x18e: {  	v36 =	vadd.s32 v28, v36;
	v44 =	vshrl.u32 v47, $0x3;
	v41 =	vbroadcast v41, $0x0;
	[tilespmem:v51+s18+$0x0] =	vst.idx.msk $0xffff, v49;
	v46 =	vld [tilespmem:s29+$0xB0]  }
0x18f: {  	v47 =	vshll.u32 v53, v1;
	v49 =	vadd.s32 v4, v33;
	v33 =	vbroadcast v45, $0x0;
	v48 =	vld [tilespmem:s29+$0xFFFFFF30];
	[tilespmem:v52+s18+$0x0] =	vst.idx.msk $0xffff, v50;
	s29 =	sadd.s32 $0x200, s29  }
0x190: {  	v40 =	vshll.u32 v40, v1;
	v45 =	vbroadcast v47, $0x0;
	v47 =	vld [tilespmem:s29+$0xC0];
	v50 =	vadd.s32 v29, v41;
	[tilespmem:v35+s18+$0x0] =	vst.idx.msk $0xffff, v56  }
0x191: {  	v55 =	vbroadcast v40, $0x0;
	v52 =	vadd.s32 v0, v33;
	v35 =	vshll.u32 v42, v1;
	v51 =	vld [tilespmem:s29+$0xFFFFFF00];
	[tilespmem:v34+s18+$0x0] =	vst.idx.msk $0xffff, v54  }
0x192: {  	v42 =	vadd.s32 v5, v45;
	v35 =	vbroadcast v35, $0x0;
	v34 =	vshll.u32 v44, v1;
	v40 =	vld [tilespmem:s29+$0xFFFFFF40];
	[tilespmem:v37+s18+$0x0] =	vst.idx.msk $0xffff, v43  }
0x193: {  	v44 =	vadd.s32 v9, v55;
	v34 =	vbroadcast v34, $0x0;
	v37 =	vshrl.u32 v38, $0x3;
	v43 =	vld [tilespmem:s29+$0xFFFFFF80];
	[tilespmem:v36+s18+$0x0] =	vst.idx.msk $0xffff, v46  }
0x194: {  	v39 =	vshrl.u32 v39, $0x3;
	v46 =	vadd.s32 v13, v35;
	v36 =	vshll.u32 v37, v1;
	v38 =	vld [tilespmem:s29+$0xFFFFFFC0];
	[tilespmem:v49+s18+$0x0] =	vst.idx.msk $0xffff, v48  }
0x195: {  	v49 =	vadd.s32 v17, v34;
	v37 =	vbroadcast v36, $0x0;
	v36 =	vshll.u32 v39, v1;
	v48 =	vld [tilespmem:s29+$0x0];
	[tilespmem:v50+s18+$0x0] =	vst.idx.msk $0xffff, v47  }
0x196: {  	v36 =	vbroadcast v36, $0x0;
	v47 =	vadd.s32 v30, v41;
	[tilespmem:v52+s18+$0x0] =	vst.idx.msk $0xffff, v51;
	v39 =	vld [tilespmem:s29+$0xD0]  }
0x197: {  	[tilespmem:v42+s18+$0x0] =	vst.idx.msk $0xffff, v40;
	v40 =	vld [tilespmem:s29+$0x40];
	v42 =	vadd.s32 v21, v37  }
0x198: {  	[tilespmem:v44+s18+$0x0] =	vst.idx.msk $0xffff, v43;
	v43 =	vld [tilespmem:s29+$0x80];
	v44 =	vadd.s32 v25, v36  }
0x199: {  	v51 =	vadd.s32 v6, v45;
	v50 =	vld [tilespmem:s29+$0xFFFFFF50];
	[tilespmem:v46+s18+$0x0] =	vst.idx.msk $0xffff, v38  }
0x19a: {  	v46 =	vadd.s32 v10, v55;
	v38 =	vld [tilespmem:s29+$0xFFFFFF90];
	[tilespmem:v49+s18+$0x0] =	vst.idx.msk $0xffff, v48  }
0x19b: {  	v49 =	vadd.s32 v14, v35;
	v48 =	vld [tilespmem:s29+$0xFFFFFFD0];
	[tilespmem:v47+s18+$0x0] =	vst.idx.msk $0xffff, v39  }
0x19c: {  	[tilespmem:v42+s18+$0x0] =	vst.idx.msk $0xffff, v40;
	v39 =	vld [tilespmem:s29+$0xE0];
	v40 =	vadd.s32 v31, v41  }
0x19d: {  	v47 =	vadd.s32 v18, v34;
	v42 =	vld [tilespmem:s29+$0x10];
	[tilespmem:v44+s18+$0x0] =	vst.idx.msk $0xffff, v43  }
0x19e: {  	v44 =	vadd.s32 v22, v37;
	[tilespmem:v51+s18+$0x0] =	vst.idx.msk $0xffff, v50;
	v43 =	vld [tilespmem:s29+$0x50]  }
0x19f: {  	[tilespmem:v46+s18+$0x0] =	vst.idx.msk $0xffff, v38;
	v38 =	vld [tilespmem:s29+$0x90];
	v46 =	vadd.s32 v26, v36  }
0x1a0: {  	v51 =	vadd.s32 v2, v33;
	v50 =	vld [tilespmem:s29+$0xFFFFFF10];
	[tilespmem:v49+s18+$0x0] =	vst.idx.msk $0xffff, v48  }
0x1a1: {  	v49 =	vadd.s32 v7, v45;
	v48 =	vld [tilespmem:s29+$0xFFFFFF60];
	[tilespmem:v40+s18+$0x0] =	vst.idx.msk $0xffff, v39  }
0x1a2: {  	[tilespmem:v47+s18+$0x0] =	vst.idx.msk $0xffff, v42;
	v39 =	vld [tilespmem:s29+$0xF0];
	v47 =	vadd.s32 v32, v41  }
0x1a3: {  	v56 =	vadd.s32 v11, v55;
	v52 =	vld [tilespmem:s29+$0xFFFFFFA0];
	[tilespmem:v44+s18+$0x0] =	vst.idx.msk $0xffff, v43  }
0x1a4: {  	v58 =	vadd.s32 v15, v35;
	v57 =	vld [tilespmem:s29+$0xFFFFFFE0];
	[tilespmem:v46+s18+$0x0] =	vst.idx.msk $0xffff, v38  }
0x1a5: {  	v60 =	vadd.s32 v19, v34;
	[tilespmem:v51+s18+$0x0] =	vst.idx.msk $0xffff, v50;
	v59 =	vld [tilespmem:s29+$0x20]  }
.Ltmp4:
0x1a6: {  	s0 =	sadd.s32 $0x1, s30;
	v41 =	vadd.s32 v23, v37;
	v38 =	vmov s30;
	[tilespmem:v49+s18+$0x0] =	vst.idx.msk $0xffff, v48;
	v40 =	vld [tilespmem:s29+$0x60];
	(pc) =	sbr.rel @p0 .LBB2_11-.Ltmp4, $4  }
0x1a7: {  	s2 =	sadd.s32 $0x3, s30;
	v53 =	vmov s0;
	s0 =	sadd.s32 $0x2, s30;
	v43 =	vadd.s32 v27, v36;
	v50 =	vshrl.u32 v38, $0x3;
	v42 =	vld [tilespmem:s29+$0xA0];
	[tilespmem:v47+s18+$0x0] =	vst.idx.msk $0xffff, v39  }
0x1a8: {  	v54 =	vmov s0;
	s0 =	sadd.s32 $0x4, s30;
	v44 =	vmov s2;
	s2 =	sadd.s32 $0x5, s30;
	v48 =	vadd.s32 v3, v33;
	v46 =	vld [tilespmem:s29+$0xFFFFFF20];
	[tilespmem:v56+s18+$0x0] =	vst.idx.msk $0xffff, v52  }
0x1a9: {  	v38 =	vmov s2;
	v51 =	vadd.s32 v8, v45;
	v47 =	vmov s0;
	s0 =	sadd.s32 $0x6, s30;
	v49 =	vld [tilespmem:s29+$0xFFFFFF70];
	[tilespmem:v58+s18+$0x0] =	vst.idx.msk $0xffff, v57  }
0x1aa: {  	s31 =	sadd.s32 $0x7, s30;
	v45 =	vshll.u32 v50, v1;
	s30 =	sadd.s32 $0x8, s30;
	v39 =	vmov s0;
	v52 =	vadd.s32 v12, v55;
	v50 =	vld [tilespmem:s29+$0xFFFFFFB0];
	[tilespmem:v60+s18+$0x0] =	vst.idx.msk $0xffff, v59  }
0x1ab: {  	_ =	sdelay $0x2  }
0x1ac: {  	v53 =	vshrl.u32 v53, $0x3  }
0x1ad: {  	v55 =	vmov s31;
	v56 =	vld [tilespmem:s29+$0xFFFFFFF0];
	v35 =	vadd.s32 v16, v35;
	[tilespmem:v41+s18+$0x0] =	vst.idx.msk $0xffff, v40;
	v57 =	vshrl.u32 v54, $0x3  }
0x1ae: {  	v59 =	vld [tilespmem:s29+$0x30];
	v34 =	vadd.s32 v20, v34;
	v60 =	vshrl.u32 v44, $0x3;
	v58 =	vshrl.u32 v55, $0x3;
	[tilespmem:v43+s18+$0x0] =	vst.idx.msk $0xffff, v42  }
0x1af: {  	v37 =	vadd.s32 v24, v37;
	v62 =	vshrl.u32 v47, $0x3;
	v61 =	vld [tilespmem:s29+$0x70];
	v41 =	vshll.u32 v58, v1;
	[tilespmem:v48+s18+$0x0] =	vst.idx.msk $0xffff, v46  }
0x1b0: {  	v36 =	vadd.s32 v28, v36;
	v45 =	vbroadcast v45, $0x0;
	v63 =	vld [tilespmem:s29+$0xB0];
	v41 =	vbroadcast v41, $0x0;
	[tilespmem:v51+s18+$0x0] =	vst.idx.msk $0xffff, v49  }
0x1b1: {  	v33 =	vadd.s32 v4, v33;
	v38 =	vshrl.u32 v38, $0x3;
	v55 =	vshll.u32 v53, v1;
	v48 =	vld [tilespmem:s29+$0xFFFFFF30];
	s29 =	sadd.s32 $0x200, s29;
	[tilespmem:v52+s18+$0x0] =	vst.idx.msk $0xffff, v50  }
0x1b2: {  	v40 =	vshll.u32 v57, v1;
	v47 =	vbroadcast v55, $0x0;
	v49 =	vld [tilespmem:s29+$0xC0];
	v50 =	vadd.s32 v29, v41;
	[tilespmem:v35+s18+$0x0] =	vst.idx.msk $0xffff, v56  }
0x1b3: {  	v42 =	vshll.u32 v60, v1;
	v40 =	vbroadcast v40, $0x0;
	v35 =	vld [tilespmem:s29+$0xFFFFFF00];
	v56 =	vadd.s32 v0, v45;
	[tilespmem:v34+s18+$0x0] =	vst.idx.msk $0xffff, v59  }
0x1b4: {  	v44 =	vshll.u32 v62, v1;
	v42 =	vbroadcast v42, $0x0;
	v57 =	vld [tilespmem:s29+$0xFFFFFF40];
	v58 =	vadd.s32 v5, v47;
	[tilespmem:v37+s18+$0x0] =	vst.idx.msk $0xffff, v61  }
0x1b5: {  	v38 =	vshll.u32 v38, v1;
	v44 =	vbroadcast v44, $0x0;
	v60 =	vadd.s32 v9, v40;
	v59 =	vld [tilespmem:s29+$0xFFFFFF80];
	[tilespmem:v36+s18+$0x0] =	vst.idx.msk $0xffff, v63  }
0x1b6: {  	v38 =	vbroadcast v38, $0x0;
	v62 =	vadd.s32 v13, v42;
	v61 =	vld [tilespmem:s29+$0xFFFFFFC0];
	[tilespmem:v33+s18+$0x0] =	vst.idx.msk $0xffff, v48  }
0x1b7: {  	v39 =	vshrl.u32 v39, $0x3;
	v63 =	vadd.s32 v17, v44;
	v33 =	vld [tilespmem:s29+$0x0];
	[tilespmem:v50+s18+$0x0] =	vst.idx.msk $0xffff, v49  }
0x1b8: {  	v39 =	vshll.u32 v39, v1;
	v34 =	vld [tilespmem:s29+$0x40];
	[tilespmem:v56+s18+$0x0] =	vst.idx.msk $0xffff, v35;
	v56 =	vadd.s32 v21, v38  }
0x1b9: {  	[tilespmem:v58+s18+$0x0] =	vst.idx.msk $0xffff, v57;
	v35 =	vbroadcast v39, $0x0;
	v49 =	vadd.s32 v30, v41;
	v39 =	vld [tilespmem:s29+$0xD0]  }
0x1ba: {  	[tilespmem:v60+s18+$0x0] =	vst.idx.msk $0xffff, v59;
	v59 =	vld [tilespmem:s29+$0xFFFFFF50];
	v60 =	vadd.s32 v6, v47  }
0x1bb: {  	v57 =	vld [tilespmem:s29+$0x80];
	[tilespmem:v62+s18+$0x0] =	vst.idx.msk $0xffff, v61;
	v58 =	vadd.s32 v25, v35  }
0x1bc: {  	v61 =	vld [tilespmem:s29+$0xFFFFFF90];
	v62 =	vadd.s32 v10, v40;
	[tilespmem:v63+s18+$0x0] =	vst.idx.msk $0xffff, v33  }
0x1bd: {  	v33 =	vld [tilespmem:s29+$0xFFFFFFD0];
	v63 =	vadd.s32 v14, v42;
	[tilespmem:v56+s18+$0x0] =	vst.idx.msk $0xffff, v34  }
0x1be: {  	v56 =	vadd.s32 v18, v44;
	[tilespmem:v49+s18+$0x0] =	vst.idx.msk $0xffff, v39;
	v49 =	vld [tilespmem:s29+$0x10]  }
0x1bf: {  	[tilespmem:v60+s18+$0x0] =	vst.idx.msk $0xffff, v59;
	v39 =	vadd.s32 v31, v41;
	v34 =	vld [tilespmem:s29+$0xE0]  }
0x1c0: {  	[tilespmem:v58+s18+$0x0] =	vst.idx.msk $0xffff, v57;
	v57 =	vld [tilespmem:s29+$0x50];
	v58 =	vadd.s32 v22, v38  }
0x1c1: {  	[tilespmem:v62+s18+$0x0] =	vst.idx.msk $0xffff, v61;
	v61 =	vld [tilespmem:s29+$0xFFFFFF10];
	v62 =	vadd.s32 v2, v45  }
0x1c2: {  	v60 =	vadd.s32 v26, v35;
	v59 =	vld [tilespmem:s29+$0x90];
	[tilespmem:v63+s18+$0x0] =	vst.idx.msk $0xffff, v33  }
0x1c3: {  	v55 =	vadd.s32 v11, v40;
	v54 =	vadd.s32 v32, v41;
	v41 =	vld [tilespmem:s29+$0xFFFFFFA0];
	[tilespmem:v56+s18+$0x0] =	vst.idx.msk $0xffff, v49  }
0x1c4: {  	v53 =	vadd.s32 v7, v47;
	v63 =	vld [tilespmem:s29+$0xFFFFFF60];
	[tilespmem:v39+s18+$0x0] =	vst.idx.msk $0xffff, v34  }
0x1c5: {  	v56 =	vld [tilespmem:s29+$0xFFFFFFE0];
	[tilespmem:v58+s18+$0x0] =	vst.idx.msk $0xffff, v57;
	v57 =	vadd.s32 v15, v42  }
0x1c6: {  	[tilespmem:v62+s18+$0x0] =	vst.idx.msk $0xffff, v61;
	v34 =	vld [tilespmem:s29+$0xF0]  }
0x1c7: {  	v58 =	vld [tilespmem:s29+$0x20];
	[tilespmem:v60+s18+$0x0] =	vst.idx.msk $0xffff, v59;
	v59 =	vadd.s32 v19, v44  }
0x1c8: {  	v61 =	vadd.s32 v23, v38;
	[tilespmem:v55+s18+$0x0] =	vst.idx.msk $0xffff, v41;
	v60 =	vld [tilespmem:s29+$0x60]  }
0x1c9: {  	[tilespmem:v53+s18+$0x0] =	vst.idx.msk $0xffff, v63;
	v63 =	vadd.s32 v27, v35;
	v62 =	vld [tilespmem:s29+$0xA0]  }
0x1ca: {  	v47 =	vadd.s32 v8, v47;
	v55 =	vld [tilespmem:s29+$0xFFFFFF70];
	[tilespmem:v57+s18+$0x0] =	vst.idx.msk $0xffff, v56  }
0x1cb: {  	v53 =	vld [tilespmem:s29+$0xFFFFFF20];
	[tilespmem:v54+s18+$0x0] =	vst.idx.msk $0xffff, v34;
	v54 =	vadd.s32 v3, v45  }
0x1cc: {  	v40 =	vadd.s32 v12, v40;
	v56 =	vld [tilespmem:s29+$0xFFFFFFB0];
	[tilespmem:v59+s18+$0x0] =	vst.idx.msk $0xffff, v58  }
0x1cd: {  	v42 =	vadd.s32 v16, v42;
	v57 =	vld [tilespmem:s29+$0xFFFFFFF0];
	[tilespmem:v61+s18+$0x0] =	vst.idx.msk $0xffff, v60  }
0x1ce: {  	v59 =	vadd.s32 v20, v44;
	v58 =	vld [tilespmem:s29+$0x30];
	[tilespmem:v63+s18+$0x0] =	vst.idx.msk $0xffff, v62  }
0x1cf: {  	v38 =	vadd.s32 v24, v38;
	v60 =	vld [tilespmem:s29+$0x70];
	[tilespmem:v47+s18+$0x0] =	vst.idx.msk $0xffff, v55  }
0x1d0: {  	v35 =	vadd.s32 v28, v35;
	v61 =	vld [tilespmem:s29+$0xB0];
	[tilespmem:v54+s18+$0x0] =	vst.idx.msk $0xffff, v53  }
0x1d1: {  	v63 =	vadd.s32 v4, v45;
	[tilespmem:v40+s18+$0x0] =	vst.idx.msk $0xffff, v56;
	v62 =	vld [tilespmem:s29+$0xFFFFFF30]  }
0x1d2: {  	[tilespmem:v42+s18+$0x0] =	vst.idx.msk $0xffff, v57  }
0x1d3: {  	[tilespmem:v59+s18+$0x0] =	vst.idx.msk $0xffff, v58  }
0x1d4: {  	[tilespmem:v38+s18+$0x0] =	vst.idx.msk $0xffff, v60  }
0x1d5: {  	[tilespmem:v35+s18+$0x0] =	vst.idx.msk $0xffff, v61  }
0x1d6: {  	s8 =	sadd.s32 $0x100, s28;
	s0 =	simm.s32 $0x12800;
	[tilespmem:v63+s18+$0x0] =	vst.idx.msk $0xffff, v62  }
0x1d7: {  	[hbm4b:s8+s3] =	stream.linear.scatter [tilespmem:s0], [sflag:$0x7], $0x80, $0x38;
	[tilespmem:$0x16C00] =	vst v63  }
0x1d8: {  	s2 =	sadd.s32 $0x10, s8;
	s0 =	simm.s32 $0x12888  }
0x1d9: {  	[hbm4b:s2+s3] =	stream.linear.scatter [tilespmem:s0], [sflag:$0x7], $0x80, $0x38;
	[tilespmem:$0x16C00] =	vst v63  }
0x1da: {  	s0 =	simm.s32 $0x12910;
	s2 =	sadd.s32 $0x20, s8  }
0x1db: {  	[hbm4b:s2+s3] =	stream.linear.scatter [tilespmem:s0], [sflag:$0x7], $0x80, $0x38;
	[tilespmem:$0x16C00] =	vst v63  }
0x1dc: {  	s0 =	simm.s32 $0x12998;
	s2 =	sadd.s32 $0x30, s8  }
0x1dd: {  	[hbm4b:s2+s3] =	stream.linear.scatter [tilespmem:s0], [sflag:$0x7], $0x80, $0x38;
	[tilespmem:$0x16C00] =	vst v63  }
0x1de: {  	s0 =	simm.s32 $0x12A20;
	s2 =	sadd.s32 $0x40, s8  }
0x1df: {  	[hbm4b:s2+s3] =	stream.linear.scatter [tilespmem:s0], [sflag:$0x7], $0x80, $0x38;
	[tilespmem:$0x16C00] =	vst v63  }
0x1e0: {  	s31 =	simm.s32 $0x2200;
	s0 =	simm.s32 $0x12AA8;
	s2 =	sadd.s32 $0x50, s8  }
0x1e1: {  	[hbm4b:s2+s3] =	stream.linear.scatter [tilespmem:s0], [sflag:$0x7], $0x80, $0x38;
	[tilespmem:$0x16C00] =	vst v63  }
0x1e2: {  	s30 =	sadd.s32 $0x4000, s8;
	s0 =	simm.s32 $0x12B30;
	s2 =	sadd.s32 $0x60, s8  }
0x1e3: {  	[hbm4b:s2+s3] =	stream.linear.scatter [tilespmem:s0], [sflag:$0x7], $0x80, $0x38;
	[tilespmem:$0x16C00] =	vst v63  }
0x1e4: {  	s29 =	simm.s32 $0x440;
	s0 =	simm.s32 $0x12BB8;
	s2 =	sadd.s32 $0x70, s8  }
.LBB2_13:
0x1e5: {  	[hbm4b:s2+s3] =	stream.linear.scatter [tilespmem:s0], [sflag:$0x7], $0x80, $0x38;
	[tilespmem:$0x16C00] =	vst v63  }
0x1e6: {  	s0 =	smov.u32 s29;
	s2 =	smov.u32 s31  }
0x1e7: {  	s8 =	sadd.s32 $0x1100, s31;
	s29 =	sshra.s32 s2, $0x2;
	s2 =	sadd.s32 $0x12800, s0  }
0x1e8: {  	[hbm4b:s30+s3] =	stream.linear.scatter [tilespmem:s2], [sflag:$0x7], $0x80, $0x38;
	[tilespmem:$0x16C00] =	vst v63  }
0x1e9: {  	p0 =	sne.s32 s31, $0x7700;
	s31 =	sadd.s32 $0x10, s30;
	s2 =	sadd.s32 $0x12888, s0  }
0x1ea: {  	[hbm4b:s31+s3] =	stream.linear.scatter [tilespmem:s2], [sflag:$0x7], $0x80, $0x38;
	[tilespmem:$0x16C00] =	vst v63  }
0x1eb: {  	s2 =	sadd.s32 $0x12910, s0;
	s31 =	sadd.s32 $0x20, s30  }
0x1ec: {  	[hbm4b:s31+s3] =	stream.linear.scatter [tilespmem:s2], [sflag:$0x7], $0x80, $0x38;
	[tilespmem:$0x16C00] =	vst v63  }
0x1ed: {  	s2 =	sadd.s32 $0x12998, s0;
	s31 =	sadd.s32 $0x30, s30  }
0x1ee: {  	[hbm4b:s31+s3] =	stream.linear.scatter [tilespmem:s2], [sflag:$0x7], $0x80, $0x38;
	[tilespmem:$0x16C00] =	vst v63  }
0x1ef: {  	s2 =	sadd.s32 $0x12A20, s0;
	s31 =	sadd.s32 $0x40, s30  }
0x1f0: {  	[hbm4b:s31+s3] =	stream.linear.scatter [tilespmem:s2], [sflag:$0x7], $0x80, $0x38;
	[tilespmem:$0x16C00] =	vst v63  }
.Ltmp5:
0x1f1: {  	s2 =	sadd.s32 $0x12AA8, s0;
	s31 =	sadd.s32 $0x50, s30;
	(pc) =	sbr.rel @p0 .LBB2_13-.Ltmp5, $4  }
0x1f2: {  	[hbm4b:s31+s3] =	stream.linear.scatter [tilespmem:s2], [sflag:$0x7], $0x80, $0x38;
	[tilespmem:$0x16C00] =	vst v63  }
0x1f3: {  	s2 =	sadd.s32 $0x12B30, s0;
	s31 =	sadd.s32 $0x60, s30;
	s0 =	sadd.s32 $0x12BB8, s0  }
0x1f4: {  	[hbm4b:s31+s3] =	stream.linear.scatter [tilespmem:s2], [sflag:$0x7], $0x80, $0x38;
	[tilespmem:$0x16C00] =	vst v63  }
0x1f5: {  	s2 =	sadd.s32 $0x70, s30;
	s30 =	sadd.s32 $0x4000, s30;
	s31 =	smov.u32 s8  }
0x1f6: {  	[hbm4b:s2+s3] =	stream.linear.scatter [tilespmem:s0], [sflag:$0x7], $0x80, $0x38;
	[tilespmem:$0x16C00] =	vst v63  }
0x1f7: {  	s8 =	sadd.s32 $0x12800, s29  }
0x1f8: {  	[hbm4b:s30+s3] =	stream.linear.scatter [tilespmem:s8], [sflag:$0x7], $0x80, $0x38;
	[tilespmem:$0x16C00] =	vst v63  }
0x1f9: {  	s2 =	sadd.s32 $0x12888, s29;
	s8 =	sadd.s32 $0x10, s30  }
0x1fa: {  	[hbm4b:s8+s3] =	stream.linear.scatter [tilespmem:s2], [sflag:$0x7], $0x80, $0x38;
	[tilespmem:$0x16C00] =	vst v63  }
0x1fb: {  	s2 =	sadd.s32 $0x12910, s29;
	s8 =	sadd.s32 $0x20, s30  }
0x1fc: {  	[hbm4b:s8+s3] =	stream.linear.scatter [tilespmem:s2], [sflag:$0x7], $0x80, $0x38;
	[tilespmem:$0x16C00] =	vst v63  }
0x1fd: {  	s2 =	sadd.s32 $0x12998, s29;
	s8 =	sadd.s32 $0x30, s30  }
0x1fe: {  	[hbm4b:s8+s3] =	stream.linear.scatter [tilespmem:s2], [sflag:$0x7], $0x80, $0x38;
	[tilespmem:$0x16C00] =	vst v63  }
0x1ff: {  	s2 =	sadd.s32 $0x12A20, s29;
	s8 =	sadd.s32 $0x40, s30  }
0x200: {  	[hbm4b:s8+s3] =	stream.linear.scatter [tilespmem:s2], [sflag:$0x7], $0x80, $0x38;
	[tilespmem:$0x16C00] =	vst v63  }
0x201: {  	s2 =	sadd.s32 $0x12AA8, s29;
	s8 =	sadd.s32 $0x50, s30  }
0x202: {  	[hbm4b:s8+s3] =	stream.linear.scatter [tilespmem:s2], [sflag:$0x7], $0x80, $0x38;
	[tilespmem:$0x16C00] =	vst v63  }
0x203: {  	s0 =	simm.s32 $0x3;
	s2 =	sadd.s32 $0x12B30, s29;
	s8 =	sadd.s32 $0x60, s30  }
0x204: {  	[hbm4b:s8+s3] =	stream.linear.scatter [tilespmem:s2], [sflag:$0x7], $0x80, $0x38;
	[tilespmem:$0x16C00] =	vst v63  }
0x205: {  	v36 =	vmov s0;
	s0 =	simm.s32 $0x5;
	s2 =	sadd.s32 $0x12BB8, s29;
	s8 =	sadd.s32 $0x70, s30  }
0x206: {  	[hbm4b:s8+s3] =	stream.linear.scatter [tilespmem:s2], [sflag:$0x7], $0x80, $0x38;
	[tilespmem:$0x16C00] =	vst v63  }
0x207: {  	v39 =	vmov s0;
	v36 =	vshrl.u32 v36, $0x3;
	s8 =	simm.s32 $0x0  }
0x208: {  	v53 =	vshll.u32 v36, v1;
	v55 =	vshrl.u32 v39, $0x3;
	s2 =	simm.s32 $0x1;
	v33 =	vmov s8  }
0x209: {  	v36 =	vshll.u32 v55, v1;
	s8 =	simm.s32 $0x2;
	v34 =	vmov s2;
	s2 =	simm.s32 $0x4;
	v33 =	vshrl.u32 v33, $0x3  }
0x20a: {  	v35 =	vmov s8;
	s8 =	simm.s32 $0x7;
	v37 =	vmov s2;
	v34 =	vshrl.u32 v34, $0x3  }
0x20b: {  	_ =	swait.ge [sflag:s19], $0x2000;
	v38 =	vmov s8;
	v33 =	vshll.u32 v33, v1;
	v35 =	vshrl.u32 v35, $0x3  }
0x20c: {  	[sflag:s19] =	ssyncset.done $0x0;
	v34 =	vshll.u32 v34, v1;
	v38 =	vshrl.u32 v38, $0x3;
	v33 =	vbroadcast v33, $0x0  }
0x20d: {  	s29 =	simm.s32 $0xC500;
	s8 =	simm.s32 $0x6;
	[sflag:s19] =	ssyncadd.s32 $0xFFFFE000;
	v37 =	vshrl.u32 v37, $0x3;
	v45 =	vbroadcast v34, $0x0;
	v38 =	vshll.u32 v38, v1  }
0x20e: {  	v40 =	vmov s8;
	v43 =	vld [tilespmem:s29+$0xFFFFFF00];
	v38 =	vbroadcast v38, $0x0;
	v44 =	vadd.s32 v0, v33  }
0x20f: {  	v52 =	vshll.u32 v35, v1;
	v46 =	vld [tilespmem:s29+$0xFFFFFF40];
	v35 =	vbroadcast v53, $0x0;
	v47 =	vadd.s32 v5, v45  }
0x210: {  	v41 =	vld [tilespmem:s29+$0xC0];
	v54 =	vshll.u32 v37, v1;
	v37 =	vbroadcast v36, $0x0;
	v42 =	vadd.s32 v29, v38  }
0x211: {  	v39 =	vld [tilespmem:s29+$0xFFFFFFC0];
	v52 =	vbroadcast v52, $0x0;
	v40 =	vshrl.u32 v40, $0x3;
	v50 =	vadd.s32 v13, v35  }
0x212: {  	v59 =	vld [tilespmem:s29+$0x40];
	v34 =	vbroadcast v54, $0x0;
	v56 =	vshll.u32 v40, v1;
	v60 =	vadd.s32 v21, v37  }
0x213: {  	v48 =	vld [tilespmem:s29+$0xFFFFFF80];
	v49 =	vadd.s32 v9, v52;
	v36 =	vbroadcast v56, $0x0;
	[tilespmem:v44+s20+$0x0] =	vst.idx.msk $0xffff, v43  }
0x214: {  	v51 =	vld [tilespmem:s29+$0x0];
	v53 =	vadd.s32 v17, v34;
	[tilespmem:v47+s20+$0x0] =	vst.idx.msk $0xffff, v46  }
0x215: {  	v61 =	vld [tilespmem:s29+$0x80];
	v62 =	vadd.s32 v25, v36;
	[tilespmem:v42+s20+$0x0] =	vst.idx.msk $0xffff, v41  }
0x216: {  	v58 =	vadd.s32 v30, v38;
	[tilespmem:v50+s20+$0x0] =	vst.idx.msk $0xffff, v39;
	v57 =	vld [tilespmem:s29+$0xD0]  }
0x217: {  	v63 =	vadd.s32 v6, v45;
	[tilespmem:v60+s20+$0x0] =	vst.idx.msk $0xffff, v59;
	v47 =	vld [tilespmem:s29+$0xFFFFFF50]  }
0x218: {  	v56 =	vadd.s32 v14, v35;
	[tilespmem:v49+s20+$0x0] =	vst.idx.msk $0xffff, v48;
	v50 =	vld [tilespmem:s29+$0xFFFFFFD0]  }
0x219: {  	v46 =	vadd.s32 v22, v37;
	[tilespmem:v53+s20+$0x0] =	vst.idx.msk $0xffff, v51;
	v44 =	vld [tilespmem:s29+$0x50]  }
0x21a: {  	v55 =	vadd.s32 v10, v52;
	v54 =	vld [tilespmem:s29+$0xFFFFFF90];
	[tilespmem:v62+s20+$0x0] =	vst.idx.msk $0xffff, v61  }
0x21b: {  	v59 =	vadd.s32 v18, v34;
	[tilespmem:v58+s20+$0x0] =	vst.idx.msk $0xffff, v57;
	v58 =	vld [tilespmem:s29+$0x10]  }
0x21c: {  	[tilespmem:v63+s20+$0x0] =	vst.idx.msk $0xffff, v47;
	v57 =	vadd.s32 v31, v38;
	v40 =	vld [tilespmem:s29+$0xE0]  }
0x21d: {  	v61 =	vld [tilespmem:s29+$0xFFFFFF10];
	v62 =	vadd.s32 v2, v33;
	[tilespmem:v56+s20+$0x0] =	vst.idx.msk $0xffff, v50  }
0x21e: {  	v60 =	vadd.s32 v26, v36;
	v63 =	vld [tilespmem:s29+$0x90];
	[tilespmem:v46+s20+$0x0] =	vst.idx.msk $0xffff, v44  }
0x21f: {  	v51 =	vadd.s32 v7, v45;
	[tilespmem:v55+s20+$0x0] =	vst.idx.msk $0xffff, v54;
	v50 =	vld [tilespmem:s29+$0xFFFFFF60]  }
0x220: {  	v56 =	vadd.s32 v11, v52;
	v55 =	vld [tilespmem:s29+$0xFFFFFFA0];
	[tilespmem:v59+s20+$0x0] =	vst.idx.msk $0xffff, v58  }
0x221: {  	v58 =	vadd.s32 v15, v35;
	[tilespmem:v57+s20+$0x0] =	vst.idx.msk $0xffff, v40;
	v57 =	vld [tilespmem:s29+$0xFFFFFFE0]  }
0x222: {  	v38 =	vadd.s32 v32, v38;
	[tilespmem:v62+s20+$0x0] =	vst.idx.msk $0xffff, v61;
	v54 =	vld [tilespmem:s29+$0xF0]  }
0x223: {  	[tilespmem:v60+s20+$0x0] =	vst.idx.msk $0xffff, v63;
	v60 =	vadd.s32 v19, v34;
	v59 =	vld [tilespmem:s29+$0x20]  }
0x224: {  	s2 =	simm.s32 $0x8;
	s8 =	simm.s32 $0x9;
	v43 =	vadd.s32 v27, v36;
	v41 =	vadd.s32 v23, v37;
	[tilespmem:v51+s20+$0x0] =	vst.idx.msk $0xffff, v50;
	v40 =	vld [tilespmem:s29+$0x60]  }
0x225: {  	v53 =	vmov s8;
	s8 =	simm.s32 $0xB;
	v48 =	vadd.s32 v3, v33;
	v63 =	vmov s2;
	v42 =	vld [tilespmem:s29+$0xA0];
	[tilespmem:v56+s20+$0x0] =	vst.idx.msk $0xffff, v55  }
0x226: {  	v44 =	vmov s8;
	s8 =	simm.s32 $0xD;
	v52 =	vadd.s32 v12, v52;
	v46 =	vld [tilespmem:s29+$0xFFFFFF20];
	s2 =	simm.s32 $0xA;
	v39 =	vshrl.u32 v63, $0x3;
	[tilespmem:v58+s20+$0x0] =	vst.idx.msk $0xffff, v57  }
0x227: {  	v51 =	vadd.s32 v8, v45;
	v49 =	vld [tilespmem:s29+$0xFFFFFF70];
	[tilespmem:v38+s20+$0x0] =	vst.idx.msk $0xffff, v54;
	v54 =	vmov s2;
	s2 =	simm.s32 $0xC;
	v38 =	vmov s8;
	s8 =	simm.s32 $0xE  }
0x228: {  	s31 =	simm.s32 $0xF;
	s30 =	simm.s32 $0x10;
	v45 =	vshll.u32 v39, v1;
	v50 =	vld [tilespmem:s29+$0xFFFFFFB0];
	[tilespmem:v60+s20+$0x0] =	vst.idx.msk $0xffff, v59;
	v47 =	vmov s2;
	v39 =	vmov s8  }
.LBB2_15:
0x229: {  	p0 =	slt.u32 s30, $0x78;
	v53 =	vshrl.u32 v53, $0x3;
	v55 =	vmov s31;
	v56 =	vld [tilespmem:s29+$0xFFFFFFF0];
	v35 =	vadd.s32 v16, v35;
	[tilespmem:v41+s20+$0x0] =	vst.idx.msk $0xffff, v40  }
0x22a: {  	v40 =	vshrl.u32 v54, $0x3;
	v34 =	vadd.s32 v20, v34;
	v41 =	vshrl.u32 v55, $0x3;
	v54 =	vld [tilespmem:s29+$0x30];
	[tilespmem:v43+s20+$0x0] =	vst.idx.msk $0xffff, v42  }
0x22b: {  	v37 =	vadd.s32 v24, v37;
	v42 =	vshrl.u32 v44, $0x3;
	v41 =	vshll.u32 v41, v1;
	[tilespmem:v48+s20+$0x0] =	vst.idx.msk $0xffff, v46;
	v43 =	vld [tilespmem:s29+$0x70]  }
0x22c: {  	v36 =	vadd.s32 v28, v36;
	v44 =	vshrl.u32 v47, $0x3;
	v41 =	vbroadcast v41, $0x0;
	[tilespmem:v51+s20+$0x0] =	vst.idx.msk $0xffff, v49;
	v46 =	vld [tilespmem:s29+$0xB0]  }
0x22d: {  	v47 =	vshll.u32 v53, v1;
	v49 =	vadd.s32 v4, v33;
	v33 =	vbroadcast v45, $0x0;
	v48 =	vld [tilespmem:s29+$0xFFFFFF30];
	[tilespmem:v52+s20+$0x0] =	vst.idx.msk $0xffff, v50;
	s29 =	sadd.s32 $0x200, s29  }
0x22e: {  	v40 =	vshll.u32 v40, v1;
	v45 =	vbroadcast v47, $0x0;
	v47 =	vld [tilespmem:s29+$0xC0];
	v50 =	vadd.s32 v29, v41;
	[tilespmem:v35+s20+$0x0] =	vst.idx.msk $0xffff, v56  }
0x22f: {  	v55 =	vbroadcast v40, $0x0;
	v52 =	vadd.s32 v0, v33;
	v35 =	vshll.u32 v42, v1;
	v51 =	vld [tilespmem:s29+$0xFFFFFF00];
	[tilespmem:v34+s20+$0x0] =	vst.idx.msk $0xffff, v54  }
0x230: {  	v42 =	vadd.s32 v5, v45;
	v35 =	vbroadcast v35, $0x0;
	v34 =	vshll.u32 v44, v1;
	v40 =	vld [tilespmem:s29+$0xFFFFFF40];
	[tilespmem:v37+s20+$0x0] =	vst.idx.msk $0xffff, v43  }
0x231: {  	v44 =	vadd.s32 v9, v55;
	v34 =	vbroadcast v34, $0x0;
	v37 =	vshrl.u32 v38, $0x3;
	v43 =	vld [tilespmem:s29+$0xFFFFFF80];
	[tilespmem:v36+s20+$0x0] =	vst.idx.msk $0xffff, v46  }
0x232: {  	v39 =	vshrl.u32 v39, $0x3;
	v46 =	vadd.s32 v13, v35;
	v36 =	vshll.u32 v37, v1;
	v38 =	vld [tilespmem:s29+$0xFFFFFFC0];
	[tilespmem:v49+s20+$0x0] =	vst.idx.msk $0xffff, v48  }
0x233: {  	v49 =	vadd.s32 v17, v34;
	v37 =	vbroadcast v36, $0x0;
	v36 =	vshll.u32 v39, v1;
	v48 =	vld [tilespmem:s29+$0x0];
	[tilespmem:v50+s20+$0x0] =	vst.idx.msk $0xffff, v47  }
0x234: {  	v36 =	vbroadcast v36, $0x0;
	v47 =	vadd.s32 v30, v41;
	[tilespmem:v52+s20+$0x0] =	vst.idx.msk $0xffff, v51;
	v39 =	vld [tilespmem:s29+$0xD0]  }
0x235: {  	[tilespmem:v42+s20+$0x0] =	vst.idx.msk $0xffff, v40;
	v40 =	vld [tilespmem:s29+$0x40];
	v42 =	vadd.s32 v21, v37  }
0x236: {  	[tilespmem:v44+s20+$0x0] =	vst.idx.msk $0xffff, v43;
	v43 =	vld [tilespmem:s29+$0x80];
	v44 =	vadd.s32 v25, v36  }
0x237: {  	v51 =	vadd.s32 v6, v45;
	v50 =	vld [tilespmem:s29+$0xFFFFFF50];
	[tilespmem:v46+s20+$0x0] =	vst.idx.msk $0xffff, v38  }
0x238: {  	v46 =	vadd.s32 v10, v55;
	v38 =	vld [tilespmem:s29+$0xFFFFFF90];
	[tilespmem:v49+s20+$0x0] =	vst.idx.msk $0xffff, v48  }
0x239: {  	v49 =	vadd.s32 v14, v35;
	v48 =	vld [tilespmem:s29+$0xFFFFFFD0];
	[tilespmem:v47+s20+$0x0] =	vst.idx.msk $0xffff, v39  }
0x23a: {  	[tilespmem:v42+s20+$0x0] =	vst.idx.msk $0xffff, v40;
	v39 =	vld [tilespmem:s29+$0xE0];
	v40 =	vadd.s32 v31, v41  }
0x23b: {  	v47 =	vadd.s32 v18, v34;
	v42 =	vld [tilespmem:s29+$0x10];
	[tilespmem:v44+s20+$0x0] =	vst.idx.msk $0xffff, v43  }
0x23c: {  	v44 =	vadd.s32 v22, v37;
	[tilespmem:v51+s20+$0x0] =	vst.idx.msk $0xffff, v50;
	v43 =	vld [tilespmem:s29+$0x50]  }
0x23d: {  	[tilespmem:v46+s20+$0x0] =	vst.idx.msk $0xffff, v38;
	v38 =	vld [tilespmem:s29+$0x90];
	v46 =	vadd.s32 v26, v36  }
0x23e: {  	v51 =	vadd.s32 v2, v33;
	v50 =	vld [tilespmem:s29+$0xFFFFFF10];
	[tilespmem:v49+s20+$0x0] =	vst.idx.msk $0xffff, v48  }
0x23f: {  	v49 =	vadd.s32 v7, v45;
	v48 =	vld [tilespmem:s29+$0xFFFFFF60];
	[tilespmem:v40+s20+$0x0] =	vst.idx.msk $0xffff, v39  }
0x240: {  	[tilespmem:v47+s20+$0x0] =	vst.idx.msk $0xffff, v42;
	v39 =	vld [tilespmem:s29+$0xF0];
	v47 =	vadd.s32 v32, v41  }
0x241: {  	v56 =	vadd.s32 v11, v55;
	v52 =	vld [tilespmem:s29+$0xFFFFFFA0];
	[tilespmem:v44+s20+$0x0] =	vst.idx.msk $0xffff, v43  }
0x242: {  	v58 =	vadd.s32 v15, v35;
	v57 =	vld [tilespmem:s29+$0xFFFFFFE0];
	[tilespmem:v46+s20+$0x0] =	vst.idx.msk $0xffff, v38  }
0x243: {  	v60 =	vadd.s32 v19, v34;
	[tilespmem:v51+s20+$0x0] =	vst.idx.msk $0xffff, v50;
	v59 =	vld [tilespmem:s29+$0x20]  }
.Ltmp6:
0x244: {  	s0 =	sadd.s32 $0x1, s30;
	v41 =	vadd.s32 v23, v37;
	v38 =	vmov s30;
	[tilespmem:v49+s20+$0x0] =	vst.idx.msk $0xffff, v48;
	v40 =	vld [tilespmem:s29+$0x60];
	(pc) =	sbr.rel @p0 .LBB2_15-.Ltmp6, $4  }
0x245: {  	s2 =	sadd.s32 $0x3, s30;
	v53 =	vmov s0;
	s0 =	sadd.s32 $0x2, s30;
	v43 =	vadd.s32 v27, v36;
	v50 =	vshrl.u32 v38, $0x3;
	v42 =	vld [tilespmem:s29+$0xA0];
	[tilespmem:v47+s20+$0x0] =	vst.idx.msk $0xffff, v39  }
0x246: {  	v54 =	vmov s0;
	s0 =	sadd.s32 $0x4, s30;
	v44 =	vmov s2;
	s2 =	sadd.s32 $0x5, s30;
	v48 =	vadd.s32 v3, v33;
	v46 =	vld [tilespmem:s29+$0xFFFFFF20];
	[tilespmem:v56+s20+$0x0] =	vst.idx.msk $0xffff, v52  }
0x247: {  	v38 =	vmov s2;
	v51 =	vadd.s32 v8, v45;
	v47 =	vmov s0;
	s0 =	sadd.s32 $0x6, s30;
	v49 =	vld [tilespmem:s29+$0xFFFFFF70];
	[tilespmem:v58+s20+$0x0] =	vst.idx.msk $0xffff, v57  }
0x248: {  	s31 =	sadd.s32 $0x7, s30;
	v45 =	vshll.u32 v50, v1;
	s30 =	sadd.s32 $0x8, s30;
	v39 =	vmov s0;
	v52 =	vadd.s32 v12, v55;
	v50 =	vld [tilespmem:s29+$0xFFFFFFB0];
	[tilespmem:v60+s20+$0x0] =	vst.idx.msk $0xffff, v59  }
0x249: {  	_ =	sdelay $0x2  }
0x24a: {  	v53 =	vshrl.u32 v53, $0x3  }
0x24b: {  	v55 =	vmov s31;
	v56 =	vld [tilespmem:s29+$0xFFFFFFF0];
	v35 =	vadd.s32 v16, v35;
	[tilespmem:v41+s20+$0x0] =	vst.idx.msk $0xffff, v40;
	v57 =	vshrl.u32 v54, $0x3  }
0x24c: {  	v59 =	vld [tilespmem:s29+$0x30];
	v34 =	vadd.s32 v20, v34;
	v60 =	vshrl.u32 v44, $0x3;
	v58 =	vshrl.u32 v55, $0x3;
	[tilespmem:v43+s20+$0x0] =	vst.idx.msk $0xffff, v42  }
0x24d: {  	v37 =	vadd.s32 v24, v37;
	v62 =	vshrl.u32 v47, $0x3;
	v61 =	vld [tilespmem:s29+$0x70];
	v41 =	vshll.u32 v58, v1;
	[tilespmem:v48+s20+$0x0] =	vst.idx.msk $0xffff, v46  }
0x24e: {  	v36 =	vadd.s32 v28, v36;
	v45 =	vbroadcast v45, $0x0;
	v63 =	vld [tilespmem:s29+$0xB0];
	v41 =	vbroadcast v41, $0x0;
	[tilespmem:v51+s20+$0x0] =	vst.idx.msk $0xffff, v49  }
0x24f: {  	v33 =	vadd.s32 v4, v33;
	v38 =	vshrl.u32 v38, $0x3;
	v55 =	vshll.u32 v53, v1;
	v48 =	vld [tilespmem:s29+$0xFFFFFF30];
	s29 =	sadd.s32 $0x200, s29;
	[tilespmem:v52+s20+$0x0] =	vst.idx.msk $0xffff, v50  }
0x250: {  	v40 =	vshll.u32 v57, v1;
	v47 =	vbroadcast v55, $0x0;
	v49 =	vld [tilespmem:s29+$0xC0];
	v50 =	vadd.s32 v29, v41;
	[tilespmem:v35+s20+$0x0] =	vst.idx.msk $0xffff, v56  }
0x251: {  	v42 =	vshll.u32 v60, v1;
	v40 =	vbroadcast v40, $0x0;
	v35 =	vld [tilespmem:s29+$0xFFFFFF00];
	v56 =	vadd.s32 v0, v45;
	[tilespmem:v34+s20+$0x0] =	vst.idx.msk $0xffff, v59  }
0x252: {  	v44 =	vshll.u32 v62, v1;
	v42 =	vbroadcast v42, $0x0;
	v57 =	vld [tilespmem:s29+$0xFFFFFF40];
	v58 =	vadd.s32 v5, v47;
	[tilespmem:v37+s20+$0x0] =	vst.idx.msk $0xffff, v61  }
0x253: {  	v38 =	vshll.u32 v38, v1;
	v44 =	vbroadcast v44, $0x0;
	v60 =	vadd.s32 v9, v40;
	v59 =	vld [tilespmem:s29+$0xFFFFFF80];
	[tilespmem:v36+s20+$0x0] =	vst.idx.msk $0xffff, v63  }
0x254: {  	v38 =	vbroadcast v38, $0x0;
	v62 =	vadd.s32 v13, v42;
	v61 =	vld [tilespmem:s29+$0xFFFFFFC0];
	[tilespmem:v33+s20+$0x0] =	vst.idx.msk $0xffff, v48  }
0x255: {  	v39 =	vshrl.u32 v39, $0x3;
	v63 =	vadd.s32 v17, v44;
	v33 =	vld [tilespmem:s29+$0x0];
	[tilespmem:v50+s20+$0x0] =	vst.idx.msk $0xffff, v49  }
0x256: {  	v39 =	vshll.u32 v39, v1;
	v34 =	vld [tilespmem:s29+$0x40];
	[tilespmem:v56+s20+$0x0] =	vst.idx.msk $0xffff, v35;
	v56 =	vadd.s32 v21, v38  }
0x257: {  	[tilespmem:v58+s20+$0x0] =	vst.idx.msk $0xffff, v57;
	v35 =	vbroadcast v39, $0x0;
	v49 =	vadd.s32 v30, v41;
	v39 =	vld [tilespmem:s29+$0xD0]  }
0x258: {  	[tilespmem:v60+s20+$0x0] =	vst.idx.msk $0xffff, v59;
	v59 =	vld [tilespmem:s29+$0xFFFFFF50];
	v60 =	vadd.s32 v6, v47  }
0x259: {  	v57 =	vld [tilespmem:s29+$0x80];
	[tilespmem:v62+s20+$0x0] =	vst.idx.msk $0xffff, v61;
	v58 =	vadd.s32 v25, v35  }
0x25a: {  	v61 =	vld [tilespmem:s29+$0xFFFFFF90];
	v62 =	vadd.s32 v10, v40;
	[tilespmem:v63+s20+$0x0] =	vst.idx.msk $0xffff, v33  }
0x25b: {  	v33 =	vld [tilespmem:s29+$0xFFFFFFD0];
	v63 =	vadd.s32 v14, v42;
	[tilespmem:v56+s20+$0x0] =	vst.idx.msk $0xffff, v34  }
0x25c: {  	v56 =	vadd.s32 v18, v44;
	[tilespmem:v49+s20+$0x0] =	vst.idx.msk $0xffff, v39;
	v49 =	vld [tilespmem:s29+$0x10]  }
0x25d: {  	[tilespmem:v60+s20+$0x0] =	vst.idx.msk $0xffff, v59;
	v39 =	vadd.s32 v31, v41;
	v34 =	vld [tilespmem:s29+$0xE0]  }
0x25e: {  	[tilespmem:v58+s20+$0x0] =	vst.idx.msk $0xffff, v57;
	v57 =	vld [tilespmem:s29+$0x50];
	v58 =	vadd.s32 v22, v38  }
0x25f: {  	[tilespmem:v62+s20+$0x0] =	vst.idx.msk $0xffff, v61;
	v61 =	vld [tilespmem:s29+$0xFFFFFF10];
	v62 =	vadd.s32 v2, v45  }
0x260: {  	v60 =	vadd.s32 v26, v35;
	v59 =	vld [tilespmem:s29+$0x90];
	[tilespmem:v63+s20+$0x0] =	vst.idx.msk $0xffff, v33  }
0x261: {  	v55 =	vadd.s32 v11, v40;
	v54 =	vadd.s32 v32, v41;
	v41 =	vld [tilespmem:s29+$0xFFFFFFA0];
	[tilespmem:v56+s20+$0x0] =	vst.idx.msk $0xffff, v49  }
0x262: {  	v53 =	vadd.s32 v7, v47;
	v63 =	vld [tilespmem:s29+$0xFFFFFF60];
	[tilespmem:v39+s20+$0x0] =	vst.idx.msk $0xffff, v34  }
0x263: {  	v56 =	vld [tilespmem:s29+$0xFFFFFFE0];
	[tilespmem:v58+s20+$0x0] =	vst.idx.msk $0xffff, v57;
	v57 =	vadd.s32 v15, v42  }
0x264: {  	[tilespmem:v62+s20+$0x0] =	vst.idx.msk $0xffff, v61;
	v34 =	vld [tilespmem:s29+$0xF0]  }
0x265: {  	v58 =	vld [tilespmem:s29+$0x20];
	[tilespmem:v60+s20+$0x0] =	vst.idx.msk $0xffff, v59;
	v59 =	vadd.s32 v19, v44  }
0x266: {  	v61 =	vadd.s32 v23, v38;
	[tilespmem:v55+s20+$0x0] =	vst.idx.msk $0xffff, v41;
	v60 =	vld [tilespmem:s29+$0x60]  }
0x267: {  	[tilespmem:v53+s20+$0x0] =	vst.idx.msk $0xffff, v63;
	v63 =	vadd.s32 v27, v35;
	v62 =	vld [tilespmem:s29+$0xA0]  }
0x268: {  	v47 =	vadd.s32 v8, v47;
	v55 =	vld [tilespmem:s29+$0xFFFFFF70];
	[tilespmem:v57+s20+$0x0] =	vst.idx.msk $0xffff, v56  }
0x269: {  	v53 =	vld [tilespmem:s29+$0xFFFFFF20];
	[tilespmem:v54+s20+$0x0] =	vst.idx.msk $0xffff, v34;
	v54 =	vadd.s32 v3, v45  }
0x26a: {  	v40 =	vadd.s32 v12, v40;
	v56 =	vld [tilespmem:s29+$0xFFFFFFB0];
	[tilespmem:v59+s20+$0x0] =	vst.idx.msk $0xffff, v58  }
0x26b: {  	v42 =	vadd.s32 v16, v42;
	v57 =	vld [tilespmem:s29+$0xFFFFFFF0];
	[tilespmem:v61+s20+$0x0] =	vst.idx.msk $0xffff, v60  }
0x26c: {  	v59 =	vadd.s32 v20, v44;
	v58 =	vld [tilespmem:s29+$0x30];
	[tilespmem:v63+s20+$0x0] =	vst.idx.msk $0xffff, v62  }
0x26d: {  	v38 =	vadd.s32 v24, v38;
	v60 =	vld [tilespmem:s29+$0x70];
	[tilespmem:v47+s20+$0x0] =	vst.idx.msk $0xffff, v55  }
0x26e: {  	v35 =	vadd.s32 v28, v35;
	v61 =	vld [tilespmem:s29+$0xB0];
	[tilespmem:v54+s20+$0x0] =	vst.idx.msk $0xffff, v53  }
0x26f: {  	v63 =	vadd.s32 v4, v45;
	[tilespmem:v40+s20+$0x0] =	vst.idx.msk $0xffff, v56;
	v62 =	vld [tilespmem:s29+$0xFFFFFF30]  }
0x270: {  	[tilespmem:v42+s20+$0x0] =	vst.idx.msk $0xffff, v57  }
0x271: {  	[tilespmem:v59+s20+$0x0] =	vst.idx.msk $0xffff, v58  }
0x272: {  	[tilespmem:v38+s20+$0x0] =	vst.idx.msk $0xffff, v60  }
0x273: {  	[tilespmem:v35+s20+$0x0] =	vst.idx.msk $0xffff, v61  }
0x274: {  	s8 =	sadd.s32 $0x180, s28;
	s0 =	simm.s32 $0x14A00;
	[tilespmem:v63+s20+$0x0] =	vst.idx.msk $0xffff, v62  }
0x275: {  	[hbm4b:s8+s3] =	stream.linear.scatter [tilespmem:s0], [sflag:$0x8], $0x80, $0x38;
	[tilespmem:$0x16C00] =	vst v63  }
0x276: {  	s31 =	simm.s32 $0x14A88;
	s2 =	sadd.s32 $0x10, s8  }
0x277: {  	[hbm4b:s2+s3] =	stream.linear.scatter [tilespmem:s31], [sflag:$0x8], $0x80, $0x38;
	[tilespmem:$0x16C00] =	vst v63  }
0x278: {  	s2 =	simm.s32 $0x14B10;
	s31 =	sadd.s32 $0x20, s8  }
0x279: {  	[hbm4b:s31+s3] =	stream.linear.scatter [tilespmem:s2], [sflag:$0x8], $0x80, $0x38;
	[tilespmem:$0x16C00] =	vst v63  }
0x27a: {  	s2 =	simm.s32 $0x14B98;
	s31 =	sadd.s32 $0x30, s8  }
0x27b: {  	[hbm4b:s31+s3] =	stream.linear.scatter [tilespmem:s2], [sflag:$0x8], $0x80, $0x38;
	[tilespmem:$0x16C00] =	vst v63  }
0x27c: {  	s2 =	simm.s32 $0x14C20;
	s31 =	sadd.s32 $0x40, s8  }
0x27d: {  	[hbm4b:s31+s3] =	stream.linear.scatter [tilespmem:s2], [sflag:$0x8], $0x80, $0x38;
	[tilespmem:$0x16C00] =	vst v63  }
0x27e: {  	s28 =	simm.s32 $0x440;
	s2 =	simm.s32 $0x14CA8;
	s31 =	sadd.s32 $0x50, s8  }
0x27f: {  	[hbm4b:s31+s3] =	stream.linear.scatter [tilespmem:s2], [sflag:$0x8], $0x80, $0x38;
	[tilespmem:$0x16C00] =	vst v63  }
0x280: {  	s30 =	simm.s32 $0x2200;
	s2 =	simm.s32 $0x14D30;
	s31 =	sadd.s32 $0x60, s8  }
0x281: {  	[hbm4b:s31+s3] =	stream.linear.scatter [tilespmem:s2], [sflag:$0x8], $0x80, $0x38;
	[tilespmem:$0x16C00] =	vst v63  }
0x282: {  	s29 =	sadd.s32 $0x4000, s8;
	s0 =	simm.s32 $0x14DB8;
	s2 =	sadd.s32 $0x70, s8  }
.LBB2_17:
0x283: {  	[hbm4b:s2+s3] =	stream.linear.scatter [tilespmem:s0], [sflag:$0x8], $0x80, $0x38;
	[tilespmem:$0x16C00] =	vst v63  }
0x284: {  	s0 =	smov.u32 s28;
	s2 =	smov.u32 s30  }
0x285: {  	s8 =	sadd.s32 $0x1100, s30;
	s28 =	sshra.s32 s2, $0x2;
	s2 =	sadd.s32 $0x14A00, s0  }
0x286: {  	[hbm4b:s29+s3] =	stream.linear.scatter [tilespmem:s2], [sflag:$0x8], $0x80, $0x38;
	[tilespmem:$0x16C00] =	vst v63  }
0x287: {  	p0 =	sne.s32 s30, $0x7700;
	s30 =	sadd.s32 $0x10, s29;
	s2 =	sadd.s32 $0x14A88, s0  }
0x288: {  	[hbm4b:s30+s3] =	stream.linear.scatter [tilespmem:s2], [sflag:$0x8], $0x80, $0x38;
	[tilespmem:$0x16C00] =	vst v63  }
0x289: {  	s2 =	sadd.s32 $0x14B10, s0;
	s30 =	sadd.s32 $0x20, s29  }
0x28a: {  	[hbm4b:s30+s3] =	stream.linear.scatter [tilespmem:s2], [sflag:$0x8], $0x80, $0x38;
	[tilespmem:$0x16C00] =	vst v63  }
0x28b: {  	s2 =	sadd.s32 $0x14B98, s0;
	s30 =	sadd.s32 $0x30, s29  }
0x28c: {  	[hbm4b:s30+s3] =	stream.linear.scatter [tilespmem:s2], [sflag:$0x8], $0x80, $0x38;
	[tilespmem:$0x16C00] =	vst v63  }
0x28d: {  	s2 =	sadd.s32 $0x14C20, s0;
	s30 =	sadd.s32 $0x40, s29  }
0x28e: {  	[hbm4b:s30+s3] =	stream.linear.scatter [tilespmem:s2], [sflag:$0x8], $0x80, $0x38;
	[tilespmem:$0x16C00] =	vst v63  }
.Ltmp7:
0x28f: {  	s2 =	sadd.s32 $0x14CA8, s0;
	s30 =	sadd.s32 $0x50, s29;
	(pc) =	sbr.rel @p0 .LBB2_17-.Ltmp7, $4  }
0x290: {  	[hbm4b:s30+s3] =	stream.linear.scatter [tilespmem:s2], [sflag:$0x8], $0x80, $0x38;
	[tilespmem:$0x16C00] =	vst v63  }
0x291: {  	s2 =	sadd.s32 $0x14D30, s0;
	s30 =	sadd.s32 $0x60, s29;
	s0 =	sadd.s32 $0x14DB8, s0  }
0x292: {  	[hbm4b:s30+s3] =	stream.linear.scatter [tilespmem:s2], [sflag:$0x8], $0x80, $0x38;
	[tilespmem:$0x16C00] =	vst v63  }
0x293: {  	s2 =	sadd.s32 $0x70, s29;
	s29 =	sadd.s32 $0x4000, s29;
	s30 =	smov.u32 s8  }
0x294: {  	[hbm4b:s2+s3] =	stream.linear.scatter [tilespmem:s0], [sflag:$0x8], $0x80, $0x38;
	[tilespmem:$0x16C00] =	vst v63  }
0x295: {  	s8 =	sadd.s32 $0x14A00, s28  }
0x296: {  	[hbm4b:s29+s3] =	stream.linear.scatter [tilespmem:s8], [sflag:$0x8], $0x80, $0x38;
	[tilespmem:$0x16C00] =	vst v63  }
0x297: {  	s30 =	sadd.s32 $0x14A88, s28;
	s31 =	sadd.s32 $0x10, s29  }
0x298: {  	[hbm4b:s31+s3] =	stream.linear.scatter [tilespmem:s30], [sflag:$0x8], $0x80, $0x38;
	[tilespmem:$0x16C00] =	vst v63  }
0x299: {  	s2 =	sadd.s32 $0x14B10, s28;
	s8 =	sadd.s32 $0x20, s29  }
0x29a: {  	[hbm4b:s8+s3] =	stream.linear.scatter [tilespmem:s2], [sflag:$0x8], $0x80, $0x38;
	[tilespmem:$0x16C00] =	vst v63  }
0x29b: {  	s30 =	sadd.s32 $0x14B98, s28;
	s31 =	sadd.s32 $0x30, s29  }
0x29c: {  	[hbm4b:s31+s3] =	stream.linear.scatter [tilespmem:s30], [sflag:$0x8], $0x80, $0x38;
	[tilespmem:$0x16C00] =	vst v63  }
0x29d: {  	s26 =	sadd.s32 $0x1, s26;
	s2 =	sadd.s32 $0x14C20, s28;
	s8 =	sadd.s32 $0x40, s29  }
0x29e: {  	[hbm4b:s8+s3] =	stream.linear.scatter [tilespmem:s2], [sflag:$0x8], $0x80, $0x38;
	[tilespmem:$0x16C00] =	vst v63  }
0x29f: {  	p0 =	sne.s32 s26, $0x32;
	s30 =	sadd.s32 $0x14CA8, s28;
	s31 =	sadd.s32 $0x50, s29  }
0x2a0: {  	[hbm4b:s31+s3] =	stream.linear.scatter [tilespmem:s30], [sflag:$0x8], $0x80, $0x38;
	[tilespmem:$0x16C00] =	vst v63  }
.Ltmp8:
0x2a1: {  	_ = 	snop;
	(pc) =	sbr.rel @p0 .LBB2_2-.Ltmp8, $4  }
0x2a2: {  	s2 =	sadd.s32 $0x14D30, s28;
	s8 =	sadd.s32 $0x60, s29  }
0x2a3: {  	[hbm4b:s8+s3] =	stream.linear.scatter [tilespmem:s2], [sflag:$0x8], $0x80, $0x38;
	[tilespmem:$0x16C00] =	vst v63  }
0x2a4: {  	s30 =	sadd.s32 $0x14DB8, s28;
	s31 =	sadd.s32 $0x70, s29  }
0x2a5: {  	[hbm4b:s31+s3] =	stream.linear.scatter [tilespmem:s30], [sflag:$0x8], $0x80, $0x38;
	[tilespmem:$0x16C00] =	vst v63  }
0x2a6: {  	_ =	swait.ge [sflag:s21], $0x2000  }
0x2a7: {  	[sflag:s21] =	ssyncset.done $0x0  }
0x2a8: {  	[sflag:s21] =	ssyncadd.s32 $0xFFFFE000  }
0x2a9: {  	_ =	swait.ge [sflag:s22], $0x2000  }
0x2aa: {  	[sflag:s22] =	ssyncset.done $0x0  }
0x2ab: {  	s25 =	sadd.s32 $0x1, s25;
	[sflag:s22] =	ssyncadd.s32 $0xFFFFE000  }
0x2ac: {  	p0 =	sne.s32 s25, s7;
	_ =	swait.ge [sflag:s23], $0x2000  }
.Ltmp9:
0x2ad: {  	[sflag:s23] =	ssyncset.done $0x0;
	(pc) =	sbr.rel @p0 .LBB2_1-.Ltmp9, $4  }
0x2ae: {  	[sflag:s23] =	ssyncadd.s32 $0xFFFFE000  }
0x2af: {  	_ =	swait.ge [sflag:s24], $0x2000  }
0x2b0: {  	[sflag:s24] =	ssyncset.done $0x0  }
0x2b1: {  	[sflag:s24] =	ssyncadd.s32 $0xFFFFE000  }
0x2b2: {  	_ =	sfence.sel $0x180000  }
0x2b3: {  	[bflag:$0x0] =	sbarrier.arrive $0xFFFF  }
0x2b4: {  	_ =	strace $0x90000047  }
0x2b5: {  	s0 =	stileid.u32;
	[bflag:$0x2] =	sbarrier.arrive $0xFFFF  }
0x2b6: {  	p0 =	sne.s32 s0, $0x0;
	s0 =	rddreg [dreg:$0x2]  }
0x2b7: {  	s0 =	sadd.s32 @!p0 $0x100000, s0  }
0x2b8: {  	[sflag:s0] =	ssyncadd.tile.s32 @!p0 $0x1;
	_ =	shalt  }
.Lfunc_end2:
_tile_overlayer_lowered:
.L_overlay_start_2:
0x2b9: {  	(tag) =	ssettag $0x2  }
0x2ba: {  	s0 =	rddreg [dreg:$0x0];
	s2 =	stileid.u32  }
0x2bb: {  	s1 =	rddreg [dreg:$0x1];
	p0 =	sne.s32 s2, $0x0  }
0x2bc: {  	s3 =	rddreg [dreg:$0x2];
	[bflag:$0x3] =	sbarrier.arrive $0xFFFF;
	s2 =	simm.s32 @!p0 $0x1C09  }
0x2bd: {  	[timem:s3], [sflag:s2] =	dma.local @!p0 [hbm:s0], s1  }
0x2be: {  	s0 =	simm.s32 @!p0 $0x9  }
0x2bf: {  	_ =	swait.ge @!p0 [sflag:s0], s1  }
0x2c0: {  	s1 =	ssub.s32 @!p0 $0x0, s1;
	[sflag:s0] =	ssyncset.done @!p0 $0x0  }
0x2c1: {  	[sflag:s0] =	ssyncadd.s32 @!p0 s1  }
0x2c2: {  	[bflag:$0x3] =	sbarrier.arrive $0xFFFF  }
0x2c3: {  	_ =	shalt  }

</sc_bundles>
